<compile_context>
chip_gen: v7x
topology: tpu7x:2x2x1
jax: 0.10.2.dev20260603
libtpu: 0.0.44.dev20260713+nightly
codegen_flags: <defaults>
</compile_context>

<pallas_src>
import functools
import jax
import jax.numpy as jnp
from jax import lax
from jax.experimental import pallas as pl
from jax.experimental.pallas import tpu as pltpu
from jax.experimental.pallas import tpu_sc as plsc

N = 10000
E = 320000
F_IN = 128
H = 128
G = 64
RATIO = 0.5

NP = 10240
NC = 2
NS = 16
EPS = E // NC
EPW = E // (NC * NS)

f32 = jnp.float32
i32 = jnp.int32


def _fill_f32(ref, n, val):
    def body(i, _):
        ref[pl.ds(i * 16, 16)] = jnp.full((16,), val, f32)
        return 0
    lax.fori_loop(0, n // 16, body, 0)


_C_CH = 2000
_EPT = E // NS


def _front_body(ei_hbm, x_hbm, out0_hbm, out1_hbm, dinv_out,
                c_sh, deg_sh, dinv_sh,
                srcv, dstv, vv, fv, zbuf, dinv_t, x_t, sem):
    c = lax.axis_index("c")
    s = lax.axis_index("s")
    rows = NP // NS
    words = (NP * 128) // NS
    _fill_f32(zbuf, 2048, 0.0)
    tb = s * words

    def zloop(i, _):
        pltpu.sync_copy(zbuf, c_sh.at[pl.ds(tb + i * 2048, 2048)])
        return 0
    lax.fori_loop(0, words // 2048, zloop, 0)
    pltpu.sync_copy(zbuf.at[pl.ds(0, rows)], deg_sh.at[pl.ds(s * rows, rows)])
    _fill_f32(vv, _C_CH, 1.0)
    pltpu.sync_copy(x_hbm, x_t)
    plsc.subcore_barrier()

    dbase = s * _EPT

    def dchunk(j, _):
        pltpu.sync_copy(ei_hbm.at[pl.ds(E + dbase + j * _C_CH, _C_CH)], dstv)
        pltpu.sync_copy(vv, deg_sh.at[dstv], add=True)
        return 0
    lax.fori_loop(0, _EPT // _C_CH, dchunk, 0)
    plsc.subcore_barrier()

    pltpu.sync_copy(deg_sh.at[pl.ds(s * rows, rows)], vv.at[pl.ds(0, rows)])

    def newton(i, _):
        sl = pl.ds(i * 16, 16)
        xdeg = vv[sl] + 1.0
        seed = 0x5F3759DF - lax.shift_right_logical(
            plsc.bitcast(xdeg, i32), 1)
        y = plsc.bitcast(seed, f32)
        y = y * (1.5 - 0.5 * xdeg * y * y)
        y = y * (1.5 - 0.5 * xdeg * y * y)
        y = y * (1.5 - 0.5 * xdeg * y * y)
        vv[sl] = y
        return 0
    lax.fori_loop(0, rows // 16, newton, 0)
    pltpu.sync_copy(vv.at[pl.ds(0, rows)], dinv_sh.at[pl.ds(s * rows, rows)])
    plsc.subcore_barrier()
    pltpu.sync_copy(dinv_sh, dinv_t)

    @pl.when(jnp.logical_and(c == 0, s == 0))
    def _():
        pltpu.sync_copy(dinv_sh, dinv_out)

    base = (c * NS + s) * EPW

    def chunk(j, _):
        b = base + j * _C_CH
        pltpu.sync_copy(ei_hbm.at[pl.ds(b, _C_CH)], srcv)
        pltpu.sync_copy(ei_hbm.at[pl.ds(E + b, _C_CH)], dstv)

        def vec(i, _):
            sl = pl.ds(i * 16, 16)
            sv = srcv[sl]
            dv = dstv[sl]
            dsg = plsc.load_gather(dinv_t, [sv])
            ddg = plsc.load_gather(dinv_t, [dv])
            xg = plsc.load_gather(x_t, [sv])
            vv[sl] = dsg * ddg
            fv[sl] = dv * 128 + xg
            return 0
        lax.fori_loop(0, _C_CH // 16, vec, 0)
        pltpu.sync_copy(vv, c_sh.at[fv], add=True)
        return 0
    lax.fori_loop(0, EPW // _C_CH, chunk, 0)
    plsc.subcore_barrier()

    @pl.when(c == 0)
    def _():
        pltpu.sync_copy(c_sh.at[pl.ds(tb, words)], out0_hbm.at[pl.ds(tb, words)])

    @pl.when(c == 1)
    def _():
        pltpu.sync_copy(c_sh.at[pl.ds(tb, words)], out1_hbm.at[pl.ds(tb, words)])


@functools.lru_cache(maxsize=1)
def _front_call():
    return pl.kernel(
    _front_body,
    out_type=(jax.ShapeDtypeStruct((NP * 128,), f32),
              jax.ShapeDtypeStruct((NP * 128,), f32),
              jax.ShapeDtypeStruct((NP,), f32)),
    mesh=plsc.VectorSubcoreMesh(core_axis_name="c", subcore_axis_name="s",
                                num_cores=NC, num_subcores=NS),
    compiler_params=pltpu.CompilerParams(needs_layout_passes=False),
    scratch_types=[
        pltpu.VMEM_SHARED((NP * 128,), f32),
        pltpu.VMEM_SHARED((NP,), f32),
        pltpu.VMEM_SHARED((NP,), f32),
        pltpu.VMEM((_C_CH,), i32),
        pltpu.VMEM((_C_CH,), i32),
        pltpu.VMEM((_C_CH,), f32),
        pltpu.VMEM((_C_CH,), i32),
        pltpu.VMEM((2048,), f32),
        pltpu.VMEM((NP,), f32),
        pltpu.VMEM((NP,), i32),
        pltpu.SemaphoreType.DMA,
    ],
)


_S_CH = 80


def _smat_body(ei_hbm, m_hbm, out_hbm, s_sh,
               srcv0, dstv0, rows0, gs0, ss0,
               srcv1, dstv1, rows1, gs1, ss1,
               srcv2, dstv2, rows2, gs2, ss2):
    c = lax.axis_index("c")
    s = lax.axis_index("s")
    nrows = NP // NS

    def zbody(r, _):
        def inner(i, _):
            rows0[r, pl.ds(i * 16, 16)] = jnp.zeros((16,), f32)
            return 0
        lax.fori_loop(0, 8, inner, 0)
        return 0
    lax.fori_loop(0, _S_CH, zbody, 0)

    def zcopy(i, _):
        pltpu.sync_copy(rows0, s_sh.at[pl.ds(s * nrows + i * _S_CH, _S_CH)])
        return 0
    lax.fori_loop(0, nrows // _S_CH, zcopy, 0)
    plsc.subcore_barrier()
    base = (c * NS + s) * EPW
    nch = EPW // _S_CH

    srcs = (srcv0, srcv1, srcv2)
    dsts = (dstv0, dstv1, dstv2)
    rws = (rows0, rows1, rows2)
    gss = (gs0, gs1, gs2)
    sss = (ss0, ss1, ss2)

    def issue(b, j):
        @pl.when(j >= 3)
        def _():
            pltpu.make_async_copy(rws[b], s_sh.at[dsts[b]], sss[b]).wait()
        pltpu.sync_copy(ei_hbm.at[pl.ds(base + j * _S_CH, _S_CH)], srcs[b])
        pltpu.async_copy(m_hbm.at[srcs[b]], rws[b], gss[b])

    def consume(b, j):
        pltpu.make_async_copy(m_hbm.at[srcs[b]], rws[b], gss[b]).wait()
        pltpu.sync_copy(ei_hbm.at[pl.ds(E + base + j * _S_CH, _S_CH)],
                        dsts[b])
        pltpu.async_copy(rws[b], s_sh.at[dsts[b]], sss[b], add=True)

    pltpu.sync_copy(ei_hbm.at[pl.ds(base, _S_CH)], srcs[0])
    pltpu.async_copy(m_hbm.at[srcs[0]], rws[0], gss[0])

    def trip(p, _):
        for b in range(3):
            j = 3 * p + b

            @pl.when(j + 1 <= nch - 1)
            def _(b=b, j=j):
                issue((b + 1) % 3, j + 1)

            @pl.when(j <= nch - 2)
            def _(b=b, j=j):
                consume(b, j)
        return 0
    lax.fori_loop(0, (nch + 2) // 3, trip, 0)
    consume((nch - 1) % 3, nch - 1)
    for b in range(3):
        pltpu.make_async_copy(rws[b], s_sh.at[dsts[b]], sss[b]).wait()
    plsc.subcore_barrier()
    pltpu.sync_copy(s_sh.at[pl.ds(s * nrows, nrows)],
                    out_hbm.at[c, pl.ds(s * nrows, nrows)])


@functools.lru_cache(maxsize=1)
def _smat_call():
    return pl.kernel(
    _smat_body,
    out_type=jax.ShapeDtypeStruct((NC, NP, 128), f32),
    mesh=plsc.VectorSubcoreMesh(core_axis_name="c", subcore_axis_name="s",
                                num_cores=NC, num_subcores=NS),
    scratch_types=[
        pltpu.VMEM_SHARED((NP, 128), f32),
        pltpu.VMEM((_S_CH,), i32),
        pltpu.VMEM((_S_CH,), i32),
        pltpu.VMEM((_S_CH, 128), f32),
        pltpu.SemaphoreType.DMA,
        pltpu.SemaphoreType.DMA,
        pltpu.VMEM((_S_CH,), i32),
        pltpu.VMEM((_S_CH,), i32),
        pltpu.VMEM((_S_CH, 128), f32),
        pltpu.SemaphoreType.DMA,
        pltpu.SemaphoreType.DMA,
        pltpu.VMEM((_S_CH,), i32),
        pltpu.VMEM((_S_CH,), i32),
        pltpu.VMEM((_S_CH, 128), f32),
        pltpu.SemaphoreType.DMA,
        pltpu.SemaphoreType.DMA,
    ],
)


_BN = 1280
_NB = NP // _BN


def _dense_body(cp0_ref, cp1_ref, x_ref, dinv_ref, w1_ref, b1_ref, w2_ref,
                m_ref):
    cmat = cp0_ref[...] + cp1_ref[...]
    dinv = dinv_ref[...]
    oh = (x_ref[...] == lax.broadcasted_iota(i32, (1, 128), 1)).astype(f32)
    cmat = cmat + oh * (dinv * dinv)
    h1 = jnp.maximum(
        jnp.dot(cmat, w1_ref[...], preferred_element_type=f32,
            precision=lax.Precision.HIGHEST) + b1_ref[...],
        0.0)
    m_ref[...] = jnp.dot(h1, w2_ref[...], preferred_element_type=f32,
            precision=lax.Precision.HIGHEST) * dinv


def _tc_dense(cp0, cp1, x_col, dinv_col, W1, b1, W2):
    return pl.pallas_call(
        _dense_body,
        grid=(_NB,),
        in_specs=[
            pl.BlockSpec((_BN, 128), lambda i: (i, 0)),
            pl.BlockSpec((_BN, 128), lambda i: (i, 0)),
            pl.BlockSpec((_BN, 1), lambda i: (i, 0)),
            pl.BlockSpec((_BN, 1), lambda i: (i, 0)),
            pl.BlockSpec((128, 128), lambda i: (0, 0)),
            pl.BlockSpec((1, 128), lambda i: (0, 0)),
            pl.BlockSpec((128, 128), lambda i: (0, 0)),
        ],
        out_specs=pl.BlockSpec((_BN, 128), lambda i: (i, 0)),
        out_shape=jax.ShapeDtypeStruct((NP, 128), f32),
    )(cp0, cp1, x_col, dinv_col, W1, b1.reshape(1, H), W2)


def _h2_body(sp_ref, m_ref, dinv_ref, b2_ref, pw_ref, h2_ref, sc_ref):
    stot = sp_ref[0] + sp_ref[1] + m_ref[...]
    h2 = jnp.maximum(dinv_ref[...] * stot + b2_ref[...], 0.0)
    h2_ref[...] = h2
    pw = pw_ref[...]
    inv_norm = lax.rsqrt(jnp.sum(pw * pw))
    sc_ref[...] = jnp.dot(h2, pw, preferred_element_type=f32,
            precision=lax.Precision.HIGHEST) * inv_norm


def _tc_h2(sp, m, dinv_col, b2, pool_w):
    return pl.pallas_call(
        _h2_body,
        grid=(_NB,),
        in_specs=[
            pl.BlockSpec((NC, _BN, 128), lambda i: (0, i, 0)),
            pl.BlockSpec((_BN, 128), lambda i: (i, 0)),
            pl.BlockSpec((_BN, 1), lambda i: (i, 0)),
            pl.BlockSpec((1, 128), lambda i: (0, 0)),
            pl.BlockSpec((128, 1), lambda i: (0, 0)),
        ],
        out_specs=[
            pl.BlockSpec((_BN, 128), lambda i: (i, 0)),
            pl.BlockSpec((_BN, 1), lambda i: (i, 0)),
        ],
        out_shape=[
            jax.ShapeDtypeStruct((NP, 128), f32),
            jax.ShapeDtypeStruct((NP, 1), f32),
        ],
    )(sp, m, dinv_col, b2.reshape(1, H), pool_w.reshape(H, 1))


def _pool_body(sc_row_ref, b_row_ref, h2_ref, out_ref):
    u32 = jnp.uint32
    s_row = sc_row_ref[...]
    b_row = b_row_ref[...]

    g_col = lax.broadcasted_iota(i32, (G, 1), 0)
    ind = b_row == g_col
    counts = jnp.sum(ind.astype(i32), axis=1, keepdims=True)
    kk = (counts + 1) // 2
    recip = 1.0 / jnp.maximum(kk.astype(f32), 1.0)

    raw = lax.bitcast_convert_type(s_row, u32)
    score_u = jnp.where(s_row < 0.0, ~raw, raw | u32(0x80000000))
    bk = (u32(G) - b_row.astype(u32)) & u32(0x7F)
    hi = (bk << 25) | (score_u >> 7)
    lo = ((score_u & u32(0x7F)) << 25) | \
        ((u32(16383) - lax.broadcasted_iota(u32, (1, NP), 1)) << 11)

    tri = (lax.broadcasted_iota(i32, (G, G), 1) <
           lax.broadcasted_iota(i32, (G, G), 0)).astype(f32)
    start = jnp.dot(tri, counts.astype(f32), preferred_element_type=f32,
            precision=lax.Precision.HIGHEST)
    need0 = (start + 0.5).astype(i32) + kk

    def round_fn(keys, pre_mask_fn=None):
        def step(i, carry):
            pre, need = carry
            b = (31 - i).astype(u32)
            low_mask = (u32(2) << b) - u32(1)
            cand = (keys >= pre) & (keys <= (pre | low_mask))
            if pre_mask_fn is not None:
                cand = cand & pre_mask_fn()
            ones = cand & (((keys >> b) & u32(1)) == u32(1))
            cnt = jnp.sum(ones.astype(i32), axis=1, keepdims=True)
            take = cnt >= need
            need = jnp.where(take, need, need - cnt)
            pre = pre | jnp.where(take, u32(1) << b, u32(0))
            return pre, need
        return step

    pre_hi, need_a = lax.fori_loop(
        0, 32, round_fn(hi),
        (jnp.zeros((G, 1), u32), need0))
    pre_lo, _ = lax.fori_loop(
        0, 21, round_fn(lo, lambda: hi == pre_hi),
        (jnp.zeros((G, 1), u32), need_a))

    keep = ind & ((hi > pre_hi) | ((hi == pre_hi) & (lo >= pre_lo)))
    ax = jnp.abs(s_row)
    x2 = s_row * s_row
    poly = s_row * (1.0 + x2 * (-1.0 / 3.0 + x2 * (2.0 / 15.0
                                                   + x2 * (-17.0 / 315.0))))
    a = jnp.exp(2.0 * jnp.minimum(ax, 20.0))
    big = jnp.where(s_row < 0.0, -(a - 1.0) / (a + 1.0),
                    (a - 1.0) / (a + 1.0))
    gate = jnp.where(ax < 0.2, poly, big)
    wmat = keep.astype(f32) * recip * gate
    out_ref[...] = jnp.dot(wmat, h2_ref[...], preferred_element_type=f32,
            precision=lax.Precision.HIGHEST)


def _tc_pool(score, batch_col, h2):
    return pl.pallas_call(
        _pool_body,
        out_shape=jax.ShapeDtypeStruct((G, 128), f32),
    )(score.reshape(1, NP), batch_col.reshape(1, NP), h2)


def kernel(x, edge_index, batch, W1, b1, W2, b2, pool_w):
    ei_flat = edge_index.astype(i32).reshape(2 * E)
    pad = NP - N
    x_p = jnp.concatenate([x.astype(i32), jnp.zeros((pad,), i32)])
    batch_p = jnp.concatenate([batch.astype(i32), jnp.full((pad,), G, i32)])

    cp0f, cp1f, dinv = _front_call()(ei_flat, x_p)
    m = _tc_dense(cp0f.reshape(NP, 128), cp1f.reshape(NP, 128),
                  x_p.reshape(NP, 1), dinv.reshape(NP, 1), W1, b1, W2)
    sp = _smat_call()(ei_flat, m)
    h2, score = _tc_h2(sp, m, dinv.reshape(NP, 1), b2, pool_w)
    emb = _tc_pool(score, batch_p.reshape(NP, 1), h2)
    return emb

# --- scband reference (transcript-rebuilt; emitter-appended) ---
"""Pipeline reference for scband-graph2-vec-25383256719833 (READ-ONLY COPY).

The authoritative reference and input builder live on the scoring server;
editing this copy changes nothing except your own understanding.
"""

import jax, jax.numpy as jnp
import numpy as np

N = 10000
E = 320000
F_IN = 128   # config.num_feature_dim (one-hot node labels)
H = 128      # hidden dim of GCN convs
G = 64       # number of graphs in the batch
RATIO = 0.5  # TopKPooling ratio


def setup_inputs(seed: int = 0) -> dict:
    key = jax.random.key(seed)
    ks = jax.random.split(key, 8)
    x = jax.random.randint(ks[0], (N,), 0, F_IN)
    edge_index = jax.random.randint(ks[1], (2, E), 0, N)
    batch = jnp.sort(jax.random.randint(ks[2], (N,), 0, G))
    W1 = jax.random.normal(ks[3], (F_IN, H), dtype=jnp.float32) / np.sqrt(F_IN)
    b1 = jnp.zeros((H,), dtype=jnp.float32)
    W2 = jax.random.normal(ks[4], (H, H), dtype=jnp.float32) / np.sqrt(H)
    b2 = jnp.zeros((H,), dtype=jnp.float32)
    pool_w = jax.random.normal(ks[5], (H,), dtype=jnp.float32)
    return {"x": x, "edge_index": edge_index, "batch": batch,
            "W1": W1, "b1": b1, "W2": W2, "b2": b2, "pool_w": pool_w}


def _gcn_conv(h, src, dst, W, b):
    # GCNConv with added self-loops and symmetric normalization
    deg = jnp.zeros((N,), dtype=jnp.float32).at[dst].add(1.0) + 1.0
    dinv = jax.lax.rsqrt(deg)
    hw = h @ W
    norm = dinv[src] * dinv[dst]
    msg = hw[src] * norm[:, None]
    out = jnp.zeros_like(hw).at[dst].add(msg)
    out = out + hw * (dinv * dinv)[:, None]  # self-loop term
    return out + b


def reference(x, edge_index, batch, W1, b1, W2, b2, pool_w):
    # embed_graph (eval mode: dropout is identity)
    src, dst = edge_index[0], edge_index[1]
    h = jax.nn.one_hot(x, F_IN, dtype=jnp.float32)
    h = jax.nn.relu(_gcn_conv(h, src, dst, W1, b1))
    h = jax.nn.relu(_gcn_conv(h, src, dst, W2, b2))

    # TopKPooling(ratio=0.5): score = (h . w)/||w||, tanh gate, keep top ceil(r*n_i) per graph
    score = (h @ pool_w) / jnp.linalg.norm(pool_w)
    counts = jax.ops.segment_sum(jnp.ones((N,), dtype=jnp.float32), batch, num_segments=G)
    k = jnp.ceil(RATIO * counts)
    order = jnp.lexsort((-score, batch))  # primary: batch, secondary: descending score
    offsets = jnp.concatenate([jnp.zeros((1,), dtype=jnp.float32), jnp.cumsum(counts)[:-1]])
    rank = jnp.zeros((N,), dtype=jnp.float32).at[order].set(
        jnp.arange(N, dtype=jnp.float32) - offsets[batch[order]])
    keep = (rank < k[batch]).astype(jnp.float32)
    gate = jnp.tanh(score)
    h_p = h * gate[:, None] * keep[:, None]

    # global_mean_pool readout over kept nodes per graph
    summed = jax.ops.segment_sum(h_p, batch, num_segments=G)
    graph_emb = summed / jnp.maximum(k, 1.0)[:, None]
    return graph_emb

if __name__ == "__main__":
    import jax
    _d = setup_inputs()
    print(jax.jit(kernel)(*tuple(_d.values())))

</pallas_src>

<mosaic_0001>
#map = affine_map<(d0, d1) -> (0)>
module attributes {stable_mosaic.version = 14 : i64} {
  func.func @_front_body(%arg0: i32, %arg1: i32, %arg2: memref<640000xi32, #tpu.memory_space<hbm>>, %arg3: memref<10240xi32, #tpu.memory_space<hbm>>, %arg4: memref<1310720xf32, #tpu.memory_space<hbm>>, %arg5: memref<1310720xf32, #tpu.memory_space<hbm>>, %arg6: memref<10240xf32, #tpu.memory_space<hbm>>, %arg7: memref<1310720xf32, #tpu.memory_space<vmem_shared>>, %arg8: memref<10240xf32, #tpu.memory_space<vmem_shared>>, %arg9: memref<10240xf32, #tpu.memory_space<vmem_shared>>, %arg10: memref<2000xi32, #tpu.memory_space<vmem>>, %arg11: memref<2000xi32, #tpu.memory_space<vmem>>, %arg12: memref<2000xf32, #tpu.memory_space<vmem>>, %arg13: memref<2000xi32, #tpu.memory_space<vmem>>, %arg14: memref<2048xf32, #tpu.memory_space<vmem>>, %arg15: memref<10240xf32, #tpu.memory_space<vmem>>, %arg16: memref<10240xi32, #tpu.memory_space<vmem>>, %arg17: memref<!tpu.dma_semaphore, #tpu.memory_space<semaphore_mem>>) attributes {dimension_semantics = [#tpu.dimension_semantics<core_parallel>, #tpu.dimension_semantics<subcore_parallel>], iteration_bounds = array<i64: 2, 16>, scalar_prefetch = 0 : i64, scratch_operands = 11 : i64, tpu.core_type = #tpu.core_type<sc_vector_subcore>, window_params = [{transform_indices = #map}, {transform_indices = #map}, {transform_indices = #map}, {transform_indices = #map}, {transform_indices = #map}]} {
    %scan3A = arith.constant 0 : i32
    %scan3A_0 = arith.constant 0 : i32
    %scan3A_1 = arith.constant 128 : i32
    %scan3A_2 = arith.addi %scan3A_0, %scan3A_1 : i32
    %scan3A_3 = arith.constant 1 : i32
    %scan3A_4 = scf.for %scan3A_71 = %scan3A_0 to %scan3A_2 step %scan3A_3 iter_args(%scan3A_72 = %scan3A) -> (i32)  : i32 {
      %broadcast_in_dim3A = arith.constant 0.000000e+00 : f32
      %broadcast_in_dim3A_73 = vector.broadcast %broadcast_in_dim3A : f32 to vector<16xf32>
      %mul3A_74 = arith.constant 16 : i32
      %mul3A_75 = arith.muli %scan3A_71, %mul3A_74 : i32
      %swap3A = arith.index_cast %mul3A_75 : i32 to index
      %swap3A_76 = tpu.vector_load %arg14[%swap3A] {strides = array<i32>} : memref<2048xf32, #tpu.memory_space<vmem>>, vector<16xf32>,
      tpu.vector_store %arg14[%swap3A], %broadcast_in_dim3A_73 {strides = array<i32>} : memref<2048xf32, #tpu.memory_space<vmem>>, vector<16xf32>,
      %scan3A_77 = arith.constant 0 : i32
      scf.yield %scan3A_77 : i32
    }
    %scan3A_5 = arith.constant 128 : i32
    %mul3A = arith.constant 81920 : i32
    %mul3A_6 = arith.muli %arg1, %mul3A : i32
    %scan3A_7 = arith.constant 0 : i32
    %scan3A_8 = arith.constant 0 : i32
    %scan3A_9 = arith.constant 40 : i32
    %scan3A_10 = arith.addi %scan3A_8, %scan3A_9 : i32
    %scan3A_11 = arith.constant 1 : i32
    %scan3A_12 = scf.for %scan3A_71 = %scan3A_8 to %scan3A_10 step %scan3A_11 iter_args(%scan3A_72 = %scan3A_7) -> (i32)  : i32 {
      %mul3A_73 = arith.constant 2048 : i32
      %mul3A_74 = arith.muli %scan3A_71, %mul3A_73 : i32
      %add3A_75 = arith.addi %mul3A_6, %mul3A_74 : i32
      "tpu.region"() ({
        %run_scoped3A = tpu.sem_alloc : memref<!tpu.dma_semaphore, #tpu.memory_space<semaphore_mem>>
        %dma_start3A = tpu.memref_slice %arg7[%add3A_75] : memref<1310720xf32, #tpu.memory_space<vmem_shared>> -> memref<2048xf32, #tpu.memory_space<vmem_shared>>
        %dma_start3A_77 = tpu.memref_slice %arg7[%add3A_75] : memref<1310720xf32, #tpu.memory_space<vmem_shared>> -> memref<2048xf32, #tpu.memory_space<vmem_shared>>
        tpu.enqueue_dma source(%arg14 : memref<2048xf32, #tpu.memory_space<vmem>>) target(%dma_start3A_77 : memref<2048xf32, #tpu.memory_space<vmem_shared>>) target_semaphore(%run_scoped3A : memref<!tpu.dma_semaphore, #tpu.memory_space<semaphore_mem>>)
        %dma_wait3A = tpu.memref_slice %arg7[%add3A_75] : memref<1310720xf32, #tpu.memory_space<vmem_shared>> -> memref<2048xf32, #tpu.memory_space<vmem_shared>>
        %dma_wait3A_78 = tpu.memref_slice %arg7[%add3A_75] : memref<1310720xf32, #tpu.memory_space<vmem_shared>> -> memref<2048xf32, #tpu.memory_space<vmem_shared>>
        tpu.wait_dma2 semaphore(%run_scoped3A : memref<!tpu.dma_semaphore, #tpu.memory_space<semaphore_mem>>) src(%arg14 : memref<2048xf32, #tpu.memory_space<vmem>>) dst(%dma_wait3A_78 : memref<2048xf32, #tpu.memory_space<vmem_shared>>)
        tpu.yield
      }) : () -> ()
      %scan3A_76 = arith.constant 0 : i32
      scf.yield %scan3A_76 : i32
    }
    %scan3A_13 = arith.constant 40 : i32
    %mul3A_14 = arith.constant 640 : i32
    %mul3A_15 = arith.muli %arg1, %mul3A_14 : i32
    "tpu.region"() ({
      %run_scoped3A = tpu.sem_alloc : memref<!tpu.dma_semaphore, #tpu.memory_space<semaphore_mem>>
      %dma_start3A = arith.constant 0 : i32
      %dma_start3A_71 = tpu.memref_slice %arg14[%dma_start3A] : memref<2048xf32, #tpu.memory_space<vmem>> -> memref<640xf32, #tpu.memory_space<vmem>>
      %dma_start3A_72 = tpu.memref_slice %arg8[%mul3A_15] : memref<10240xf32, #tpu.memory_space<vmem_shared>> -> memref<640xf32, #tpu.memory_space<vmem_shared>>
      %dma_start3A_73 = tpu.memref_slice %arg8[%mul3A_15] : memref<10240xf32, #tpu.memory_space<vmem_shared>> -> memref<640xf32, #tpu.memory_space<vmem_shared>>
      %dma_start3A_74 = arith.constant 0 : i32
      %dma_start3A_75 = tpu.memref_slice %arg14[%dma_start3A_74] : memref<2048xf32, #tpu.memory_space<vmem>> -> memref<640xf32, #tpu.memory_space<vmem>>
      tpu.enqueue_dma source(%dma_start3A_75 : memref<640xf32, #tpu.memory_space<vmem>>) target(%dma_start3A_73 : memref<640xf32, #tpu.memory_space<vmem_shared>>) target_semaphore(%run_scoped3A : memref<!tpu.dma_semaphore, #tpu.memory_space<semaphore_mem>>)
      %dma_wait3A = arith.constant 0 : i32
      %dma_wait3A_76 = tpu.memref_slice %arg14[%dma_wait3A] : memref<2048xf32, #tpu.memory_space<vmem>> -> memref<640xf32, #tpu.memory_space<vmem>>
      %dma_wait3A_77 = tpu.memref_slice %arg8[%mul3A_15] : memref<10240xf32, #tpu.memory_space<vmem_shared>> -> memref<640xf32, #tpu.memory_space<vmem_shared>>
      %dma_wait3A_78 = tpu.memref_slice %arg8[%mul3A_15] : memref<10240xf32, #tpu.memory_space<vmem_shared>> -> memref<640xf32, #tpu.memory_space<vmem_shared>>
      %dma_wait3A_79 = arith.constant 0 : i32
      %dma_wait3A_80 = tpu.memref_slice %arg14[%dma_wait3A_79] : memref<2048xf32, #tpu.memory_space<vmem>> -> memref<640xf32, #tpu.memory_space<vmem>>
      tpu.wait_dma2 semaphore(%run_scoped3A : memref<!tpu.dma_semaphore, #tpu.memory_space<semaphore_mem>>) src(%dma_wait3A_80 : memref<640xf32, #tpu.memory_space<vmem>>) dst(%dma_wait3A_78 : memref<640xf32, #tpu.memory_space<vmem_shared>>)
      tpu.yield
    }) : () -> ()
    %scan3A_16 = arith.constant 0 : i32
    %scan3A_17 = arith.constant 0 : i32
    %scan3A_18 = arith.constant 125 : i32
    %scan3A_19 = arith.addi %scan3A_17, %scan3A_18 : i32
    %scan3A_20 = arith.constant 1 : i32
    %scan3A_21 = scf.for %scan3A_71 = %scan3A_17 to %scan3A_19 step %scan3A_20 iter_args(%scan3A_72 = %scan3A_16) -> (i32)  : i32 {
      %broadcast_in_dim3A = arith.constant 1.000000e+00 : f32
      %broadcast_in_dim3A_73 = vector.broadcast %broadcast_in_dim3A : f32 to vector<16xf32>
      %mul3A_74 = arith.constant 16 : i32
      %mul3A_75 = arith.muli %scan3A_71, %mul3A_74 : i32
      %swap3A = arith.index_cast %mul3A_75 : i32 to index
      %swap3A_76 = tpu.vector_load %arg12[%swap3A] {strides = array<i32>} : memref<2000xf32, #tpu.memory_space<vmem>>, vector<16xf32>,
      tpu.vector_store %arg12[%swap3A], %broadcast_in_dim3A_73 {strides = array<i32>} : memref<2000xf32, #tpu.memory_space<vmem>>, vector<16xf32>,
      %scan3A_77 = arith.constant 0 : i32
      scf.yield %scan3A_77 : i32
    }
    %scan3A_22 = arith.constant 125 : i32
    "tpu.region"() ({
      %run_scoped3A = tpu.sem_alloc : memref<!tpu.dma_semaphore, #tpu.memory_space<semaphore_mem>>
      tpu.enqueue_dma source(%arg3 : memref<10240xi32, #tpu.memory_space<hbm>>) target(%arg16 : memref<10240xi32, #tpu.memory_space<vmem>>) target_semaphore(%run_scoped3A : memref<!tpu.dma_semaphore, #tpu.memory_space<semaphore_mem>>)
      tpu.wait_dma2 semaphore(%run_scoped3A : memref<!tpu.dma_semaphore, #tpu.memory_space<semaphore_mem>>) src(%arg3 : memref<10240xi32, #tpu.memory_space<hbm>>) dst(%arg16 : memref<10240xi32, #tpu.memory_space<vmem>>)
      tpu.yield
    }) : () -> ()
    %barrier3A = arith.constant 0 : index
    tpu.barrier barrier_id(%barrier3A)
    %mul3A_23 = arith.constant 20000 : i32
    %mul3A_24 = arith.muli %arg1, %mul3A_23 : i32
    %scan3A_25 = arith.constant 0 : i32
    %scan3A_26 = arith.constant 0 : i32
    %scan3A_27 = arith.constant 10 : i32
    %scan3A_28 = arith.addi %scan3A_26, %scan3A_27 : i32
    %scan3A_29 = arith.constant 1 : i32
    %scan3A_30 = scf.for %scan3A_71 = %scan3A_26 to %scan3A_28 step %scan3A_29 iter_args(%scan3A_72 = %scan3A_25) -> (i32)  : i32 {
      %add3A_73 = arith.constant 320000 : i32
      %add3A_74 = arith.addi %add3A_73, %mul3A_24 : i32
      %mul3A_75 = arith.constant 2000 : i32
      %mul3A_76 = arith.muli %scan3A_71, %mul3A_75 : i32
      %add3A_77 = arith.addi %add3A_74, %mul3A_76 : i32
      "tpu.region"() ({
        %run_scoped3A = tpu.sem_alloc : memref<!tpu.dma_semaphore, #tpu.memory_space<semaphore_mem>>
        %dma_start3A = tpu.memref_slice %arg2[%add3A_77] : memref<640000xi32, #tpu.memory_space<hbm>> -> memref<2000xi32, #tpu.memory_space<hbm>>
        %dma_start3A_79 = tpu.memref_slice %arg2[%add3A_77] : memref<640000xi32, #tpu.memory_space<hbm>> -> memref<2000xi32, #tpu.memory_space<hbm>>
        tpu.enqueue_dma source(%dma_start3A_79 : memref<2000xi32, #tpu.memory_space<hbm>>) target(%arg11 : memref<2000xi32, #tpu.memory_space<vmem>>) target_semaphore(%run_scoped3A : memref<!tpu.dma_semaphore, #tpu.memory_space<semaphore_mem>>)
        %dma_wait3A = tpu.memref_slice %arg2[%add3A_77] : memref<640000xi32, #tpu.memory_space<hbm>> -> memref<2000xi32, #tpu.memory_space<hbm>>
        %dma_wait3A_80 = tpu.memref_slice %arg2[%add3A_77] : memref<640000xi32, #tpu.memory_space<hbm>> -> memref<2000xi32, #tpu.memory_space<hbm>>
        tpu.wait_dma2 semaphore(%run_scoped3A : memref<!tpu.dma_semaphore, #tpu.memory_space<semaphore_mem>>) src(%dma_wait3A_80 : memref<2000xi32, #tpu.memory_space<hbm>>) dst(%arg11 : memref<2000xi32, #tpu.memory_space<vmem>>)
        tpu.yield
      }) : () -> ()
      "tpu.region"() ({
        %run_scoped3A = tpu.sem_alloc : memref<!tpu.dma_semaphore, #tpu.memory_space<semaphore_mem>>
        %dma_start3A = arith.constant 0 : i32
        %dma_start3A_79 = tpu.memref_slice %arg8[%dma_start3A] : memref<10240xf32, #tpu.memory_space<vmem_shared>> -> memref<10240xf32, #tpu.memory_space<vmem_shared>>
        tpu.enqueue_indirect_dma source(%arg12 : memref<2000xf32, #tpu.memory_space<vmem>>) target(%dma_start3A_79 : memref<10240xf32, #tpu.memory_space<vmem_shared>>) offsets(%arg11 : memref<2000xi32, #tpu.memory_space<vmem>>) semaphore(%run_scoped3A : memref<!tpu.dma_semaphore, #tpu.memory_space<semaphore_mem>>) {add = true}
        %dma_wait3A = arith.constant 0 : i32
        %dma_wait3A_80 = tpu.memref_slice %arg8[%dma_wait3A] : memref<10240xf32, #tpu.memory_space<vmem_shared>> -> memref<10240xf32, #tpu.memory_space<vmem_shared>>
        tpu.wait_indirect_dma semaphore(%run_scoped3A : memref<!tpu.dma_semaphore, #tpu.memory_space<semaphore_mem>>) src(%arg12 : memref<2000xf32, #tpu.memory_space<vmem>>) dst(%dma_wait3A_80 : memref<10240xf32, #tpu.memory_space<vmem_shared>>)
        tpu.yield
      }) : () -> ()
      %scan3A_78 = arith.constant 0 : i32
      scf.yield %scan3A_78 : i32
    }
    %scan3A_31 = arith.constant 10 : i32
    %barrier3A_32 = arith.constant 0 : index
    tpu.barrier barrier_id(%barrier3A_32)
    %mul3A_33 = arith.constant 640 : i32
    %mul3A_34 = arith.muli %arg1, %mul3A_33 : i32
    "tpu.region"() ({
      %run_scoped3A = tpu.sem_alloc : memref<!tpu.dma_semaphore, #tpu.memory_space<semaphore_mem>>
      %dma_start3A = arith.constant 0 : i32
      %dma_start3A_71 = tpu.memref_slice %arg12[%dma_start3A] : memref<2000xf32, #tpu.memory_space<vmem>> -> memref<640xf32, #tpu.memory_space<vmem>>
      %dma_start3A_72 = tpu.memref_slice %arg8[%mul3A_34] : memref<10240xf32, #tpu.memory_space<vmem_shared>> -> memref<640xf32, #tpu.memory_space<vmem_shared>>
      %dma_start3A_73 = arith.constant 0 : i32
      %dma_start3A_74 = tpu.memref_slice %arg12[%dma_start3A_73] : memref<2000xf32, #tpu.memory_space<vmem>> -> memref<640xf32, #tpu.memory_space<vmem>>
      %dma_start3A_75 = tpu.memref_slice %arg8[%mul3A_34] : memref<10240xf32, #tpu.memory_space<vmem_shared>> -> memref<640xf32, #tpu.memory_space<vmem_shared>>
      tpu.enqueue_dma source(%dma_start3A_75 : memref<640xf32, #tpu.memory_space<vmem_shared>>) target(%dma_start3A_74 : memref<640xf32, #tpu.memory_space<vmem>>) target_semaphore(%run_scoped3A : memref<!tpu.dma_semaphore, #tpu.memory_space<semaphore_mem>>)
      %dma_wait3A = arith.constant 0 : i32
      %dma_wait3A_76 = tpu.memref_slice %arg12[%dma_wait3A] : memref<2000xf32, #tpu.memory_space<vmem>> -> memref<640xf32, #tpu.memory_space<vmem>>
      %dma_wait3A_77 = tpu.memref_slice %arg8[%mul3A_34] : memref<10240xf32, #tpu.memory_space<vmem_shared>> -> memref<640xf32, #tpu.memory_space<vmem_shared>>
      %dma_wait3A_78 = arith.constant 0 : i32
      %dma_wait3A_79 = tpu.memref_slice %arg12[%dma_wait3A_78] : memref<2000xf32, #tpu.memory_space<vmem>> -> memref<640xf32, #tpu.memory_space<vmem>>
      %dma_wait3A_80 = tpu.memref_slice %arg8[%mul3A_34] : memref<10240xf32, #tpu.memory_space<vmem_shared>> -> memref<640xf32, #tpu.memory_space<vmem_shared>>
      tpu.wait_dma2 semaphore(%run_scoped3A : memref<!tpu.dma_semaphore, #tpu.memory_space<semaphore_mem>>) src(%dma_wait3A_80 : memref<640xf32, #tpu.memory_space<vmem_shared>>) dst(%dma_wait3A_79 : memref<640xf32, #tpu.memory_space<vmem>>)
      tpu.yield
    }) : () -> ()
    %scan3A_35 = arith.constant 0 : i32
    %scan3A_36 = arith.constant 0 : i32
    %scan3A_37 = arith.constant 40 : i32
    %scan3A_38 = arith.addi %scan3A_36, %scan3A_37 : i32
    %scan3A_39 = arith.constant 1 : i32
    %scan3A_40 = scf.for %scan3A_71 = %scan3A_36 to %scan3A_38 step %scan3A_39 iter_args(%scan3A_72 = %scan3A_35) -> (i32)  : i32 {
      %mul3A_73 = arith.constant 16 : i32
      %mul3A_74 = arith.muli %scan3A_71, %mul3A_73 : i32
      %get3A = arith.index_cast %mul3A_74 : i32 to index
      %get3A_75 = tpu.vector_load %arg12[%get3A] {strides = array<i32>} : memref<2000xf32, #tpu.memory_space<vmem>>, vector<16xf32>,
      %add3A_76 = arith.constant 1.000000e+00 : f32
      %add3A_77 = vector.broadcast %add3A_76 : f32 to vector<16xf32>
      %add3A_78 = arith.addf %get3A_75, %add3A_77 : vector<16xf32>
      %bitcast3A = vector.bitcast %add3A_78 : vector<16xf32> to vector<16xi32>
      %shift_right_logical3A = arith.constant 1 : i32
      %shift_right_logical3A_79 = vector.broadcast %shift_right_logical3A : i32 to vector<16xi32>
      %shift_right_logical3A_80 = arith.shrui %bitcast3A, %shift_right_logical3A_79 : vector<16xi32>
      %sub3A = arith.constant 1597463007 : i32
      %sub3A_81 = vector.broadcast %sub3A : i32 to vector<16xi32>
      %sub3A_82 = arith.subi %sub3A_81, %shift_right_logical3A_80 : vector<16xi32>
      %bitcast3A_83 = vector.bitcast %sub3A_82 : vector<16xi32> to vector<16xf32>
      %mul3A_84 = arith.constant 5.000000e-01 : f32
      %mul3A_85 = vector.broadcast %mul3A_84 : f32 to vector<16xf32>
      %mul3A_86 = arith.mulf %mul3A_85, %add3A_78 : vector<16xf32>
      %mul3A_87 = arith.mulf %mul3A_86, %bitcast3A_83 : vector<16xf32>
      %mul3A_88 = arith.mulf %mul3A_87, %bitcast3A_83 : vector<16xf32>
      %sub3A_89 = arith.constant 1.500000e+00 : f32
      %sub3A_90 = vector.broadcast %sub3A_89 : f32 to vector<16xf32>
      %sub3A_91 = arith.subf %sub3A_90, %mul3A_88 : vector<16xf32>
      %mul3A_92 = arith.mulf %bitcast3A_83, %sub3A_91 : vector<16xf32>
      %mul3A_93 = arith.constant 5.000000e-01 : f32
      %mul3A_94 = vector.broadcast %mul3A_93 : f32 to vector<16xf32>
      %mul3A_95 = arith.mulf %mul3A_94, %add3A_78 : vector<16xf32>
      %mul3A_96 = arith.mulf %mul3A_95, %mul3A_92 : vector<16xf32>
      %mul3A_97 = arith.mulf %mul3A_96, %mul3A_92 : vector<16xf32>
      %sub3A_98 = arith.constant 1.500000e+00 : f32
      %sub3A_99 = vector.broadcast %sub3A_98 : f32 to vector<16xf32>
      %sub3A_100 = arith.subf %sub3A_99, %mul3A_97 : vector<16xf32>
      %mul3A_101 = arith.mulf %mul3A_92, %sub3A_100 : vector<16xf32>
      %mul3A_102 = arith.constant 5.000000e-01 : f32
      %mul3A_103 = vector.broadcast %mul3A_102 : f32 to vector<16xf32>
      %mul3A_104 = arith.mulf %mul3A_103, %add3A_78 : vector<16xf32>
      %mul3A_105 = arith.mulf %mul3A_104, %mul3A_101 : vector<16xf32>
      %mul3A_106 = arith.mulf %mul3A_105, %mul3A_101 : vector<16xf32>
      %sub3A_107 = arith.constant 1.500000e+00 : f32
      %sub3A_108 = vector.broadcast %sub3A_107 : f32 to vector<16xf32>
      %sub3A_109 = arith.subf %sub3A_108, %mul3A_106 : vector<16xf32>
      %mul3A_110 = arith.mulf %mul3A_101, %sub3A_109 : vector<16xf32>
      %swap3A = arith.index_cast %mul3A_74 : i32 to index
      %swap3A_111 = tpu.vector_load %arg12[%swap3A] {strides = array<i32>} : memref<2000xf32, #tpu.memory_space<vmem>>, vector<16xf32>,
      tpu.vector_store %arg12[%swap3A], %mul3A_110 {strides = array<i32>} : memref<2000xf32, #tpu.memory_space<vmem>>, vector<16xf32>,
      %scan3A_112 = arith.constant 0 : i32
      scf.yield %scan3A_112 : i32
    }
    %scan3A_41 = arith.constant 40 : i32
    %mul3A_42 = arith.constant 640 : i32
    %mul3A_43 = arith.muli %arg1, %mul3A_42 : i32
    "tpu.region"() ({
      %run_scoped3A = tpu.sem_alloc : memref<!tpu.dma_semaphore, #tpu.memory_space<semaphore_mem>>
      %dma_start3A = arith.constant 0 : i32
      %dma_start3A_71 = tpu.memref_slice %arg12[%dma_start3A] : memref<2000xf32, #tpu.memory_space<vmem>> -> memref<640xf32, #tpu.memory_space<vmem>>
      %dma_start3A_72 = tpu.memref_slice %arg9[%mul3A_43] : memref<10240xf32, #tpu.memory_space<vmem_shared>> -> memref<640xf32, #tpu.memory_space<vmem_shared>>
      %dma_start3A_73 = tpu.memref_slice %arg9[%mul3A_43] : memref<10240xf32, #tpu.memory_space<vmem_shared>> -> memref<640xf32, #tpu.memory_space<vmem_shared>>
      %dma_start3A_74 = arith.constant 0 : i32
      %dma_start3A_75 = tpu.memref_slice %arg12[%dma_start3A_74] : memref<2000xf32, #tpu.memory_space<vmem>> -> memref<640xf32, #tpu.memory_space<vmem>>
      tpu.enqueue_dma source(%dma_start3A_75 : memref<640xf32, #tpu.memory_space<vmem>>) target(%dma_start3A_73 : memref<640xf32, #tpu.memory_space<vmem_shared>>) target_semaphore(%run_scoped3A : memref<!tpu.dma_semaphore, #tpu.memory_space<semaphore_mem>>)
      %dma_wait3A = arith.constant 0 : i32
      %dma_wait3A_76 = tpu.memref_slice %arg12[%dma_wait3A] : memref<2000xf32, #tpu.memory_space<vmem>> -> memref<640xf32, #tpu.memory_space<vmem>>
      %dma_wait3A_77 = tpu.memref_slice %arg9[%mul3A_43] : memref<10240xf32, #tpu.memory_space<vmem_shared>> -> memref<640xf32, #tpu.memory_space<vmem_shared>>
      %dma_wait3A_78 = tpu.memref_slice %arg9[%mul3A_43] : memref<10240xf32, #tpu.memory_space<vmem_shared>> -> memref<640xf32, #tpu.memory_space<vmem_shared>>
      %dma_wait3A_79 = arith.constant 0 : i32
      %dma_wait3A_80 = tpu.memref_slice %arg12[%dma_wait3A_79] : memref<2000xf32, #tpu.memory_space<vmem>> -> memref<640xf32, #tpu.memory_space<vmem>>
      tpu.wait_dma2 semaphore(%run_scoped3A : memref<!tpu.dma_semaphore, #tpu.memory_space<semaphore_mem>>) src(%dma_wait3A_80 : memref<640xf32, #tpu.memory_space<vmem>>) dst(%dma_wait3A_78 : memref<640xf32, #tpu.memory_space<vmem_shared>>)
      tpu.yield
    }) : () -> ()
    %barrier3A_44 = arith.constant 0 : index
    tpu.barrier barrier_id(%barrier3A_44)
    "tpu.region"() ({
      %run_scoped3A = tpu.sem_alloc : memref<!tpu.dma_semaphore, #tpu.memory_space<semaphore_mem>>
      tpu.enqueue_dma source(%arg9 : memref<10240xf32, #tpu.memory_space<vmem_shared>>) target(%arg15 : memref<10240xf32, #tpu.memory_space<vmem>>) target_semaphore(%run_scoped3A : memref<!tpu.dma_semaphore, #tpu.memory_space<semaphore_mem>>)
      tpu.wait_dma2 semaphore(%run_scoped3A : memref<!tpu.dma_semaphore, #tpu.memory_space<semaphore_mem>>) src(%arg9 : memref<10240xf32, #tpu.memory_space<vmem_shared>>) dst(%arg15 : memref<10240xf32, #tpu.memory_space<vmem>>)
      tpu.yield
    }) : () -> ()
    %eq3A = arith.constant 0 : i32
    %eq3A_45 = arith.cmpi eq, %arg0, %eq3A : i32
    %eq3A_46 = arith.constant 0 : i32
    %eq3A_47 = arith.cmpi eq, %arg1, %eq3A_46 : i32
    %and3A = arith.andi %eq3A_45, %eq3A_47 : i1
    %convert_element_type3A = arith.extui %and3A : i1 to i32
    %cond3A = arith.constant 0 : i32
    %cond3A_48 = arith.cmpi ne, %convert_element_type3A, %cond3A : i32
    scf.if %cond3A_48 {
      "tpu.region"() ({
        %run_scoped3A = tpu.sem_alloc : memref<!tpu.dma_semaphore, #tpu.memory_space<semaphore_mem>>
        tpu.enqueue_dma source(%arg9 : memref<10240xf32, #tpu.memory_space<vmem_shared>>) target(%arg6 : memref<10240xf32, #tpu.memory_space<hbm>>) target_semaphore(%run_scoped3A : memref<!tpu.dma_semaphore, #tpu.memory_space<semaphore_mem>>)
        tpu.wait_dma2 semaphore(%run_scoped3A : memref<!tpu.dma_semaphore, #tpu.memory_space<semaphore_mem>>) src(%arg9 : memref<10240xf32, #tpu.memory_space<vmem_shared>>) dst(%arg6 : memref<10240xf32, #tpu.memory_space<hbm>>)
        tpu.yield
      }) : () -> ()
    } else {
    }
    %mul3A_49 = arith.constant 16 : i32
    %mul3A_50 = arith.muli %arg0, %mul3A_49 : i32
    %add3A = arith.addi %mul3A_50, %arg1 : i32
    %mul3A_51 = arith.constant 10000 : i32
    %mul3A_52 = arith.muli %add3A, %mul3A_51 : i32
    %scan3A_53 = arith.constant 0 : i32
    %scan3A_54 = arith.constant 0 : i32
    %scan3A_55 = arith.constant 5 : i32
    %scan3A_56 = arith.addi %scan3A_54, %scan3A_55 : i32
    %scan3A_57 = arith.constant 1 : i32
    %scan3A_58 = scf.for %scan3A_71 = %scan3A_54 to %scan3A_56 step %scan3A_57 iter_args(%scan3A_72 = %scan3A_53) -> (i32)  : i32 {
      %mul3A_73 = arith.constant 2000 : i32
      %mul3A_74 = arith.muli %scan3A_71, %mul3A_73 : i32
      %add3A_75 = arith.addi %mul3A_52, %mul3A_74 : i32
      "tpu.region"() ({
        %run_scoped3A = tpu.sem_alloc : memref<!tpu.dma_semaphore, #tpu.memory_space<semaphore_mem>>
        %dma_start3A = tpu.memref_slice %arg2[%add3A_75] : memref<640000xi32, #tpu.memory_space<hbm>> -> memref<2000xi32, #tpu.memory_space<hbm>>
        %dma_start3A_86 = tpu.memref_slice %arg2[%add3A_75] : memref<640000xi32, #tpu.memory_space<hbm>> -> memref<2000xi32, #tpu.memory_space<hbm>>
        tpu.enqueue_dma source(%dma_start3A_86 : memref<2000xi32, #tpu.memory_space<hbm>>) target(%arg10 : memref<2000xi32, #tpu.memory_space<vmem>>) target_semaphore(%run_scoped3A : memref<!tpu.dma_semaphore, #tpu.memory_space<semaphore_mem>>)
        %dma_wait3A = tpu.memref_slice %arg2[%add3A_75] : memref<640000xi32, #tpu.memory_space<hbm>> -> memref<2000xi32, #tpu.memory_space<hbm>>
        %dma_wait3A_87 = tpu.memref_slice %arg2[%add3A_75] : memref<640000xi32, #tpu.memory_space<hbm>> -> memref<2000xi32, #tpu.memory_space<hbm>>
        tpu.wait_dma2 semaphore(%run_scoped3A : memref<!tpu.dma_semaphore, #tpu.memory_space<semaphore_mem>>) src(%dma_wait3A_87 : memref<2000xi32, #tpu.memory_space<hbm>>) dst(%arg10 : memref<2000xi32, #tpu.memory_space<vmem>>)
        tpu.yield
      }) : () -> ()
      %add3A_76 = arith.constant 320000 : i32
      %add3A_77 = arith.addi %add3A_76, %add3A_75 : i32
      "tpu.region"() ({
        %run_scoped3A = tpu.sem_alloc : memref<!tpu.dma_semaphore, #tpu.memory_space<semaphore_mem>>
        %dma_start3A = tpu.memref_slice %arg2[%add3A_77] : memref<640000xi32, #tpu.memory_space<hbm>> -> memref<2000xi32, #tpu.memory_space<hbm>>
        %dma_start3A_86 = tpu.memref_slice %arg2[%add3A_77] : memref<640000xi32, #tpu.memory_space<hbm>> -> memref<2000xi32, #tpu.memory_space<hbm>>
        tpu.enqueue_dma source(%dma_start3A_86 : memref<2000xi32, #tpu.memory_space<hbm>>) target(%arg11 : memref<2000xi32, #tpu.memory_space<vmem>>) target_semaphore(%run_scoped3A : memref<!tpu.dma_semaphore, #tpu.memory_space<semaphore_mem>>)
        %dma_wait3A = tpu.memref_slice %arg2[%add3A_77] : memref<640000xi32, #tpu.memory_space<hbm>> -> memref<2000xi32, #tpu.memory_space<hbm>>
        %dma_wait3A_87 = tpu.memref_slice %arg2[%add3A_77] : memref<640000xi32, #tpu.memory_space<hbm>> -> memref<2000xi32, #tpu.memory_space<hbm>>
        tpu.wait_dma2 semaphore(%run_scoped3A : memref<!tpu.dma_semaphore, #tpu.memory_space<semaphore_mem>>) src(%dma_wait3A_87 : memref<2000xi32, #tpu.memory_space<hbm>>) dst(%arg11 : memref<2000xi32, #tpu.memory_space<vmem>>)
        tpu.yield
      }) : () -> ()
      %scan3A_78 = arith.constant 0 : i32
      %scan3A_79 = arith.constant 0 : i32
      %scan3A_80 = arith.constant 125 : i32
      %scan3A_81 = arith.addi %scan3A_79, %scan3A_80 : i32
      %scan3A_82 = arith.constant 1 : i32
      %scan3A_83 = scf.for %scan3A_86 = %scan3A_79 to %scan3A_81 step %scan3A_82 iter_args(%scan3A_87 = %scan3A_78) -> (i32)  : i32 {
        %mul3A_88 = arith.constant 16 : i32
        %mul3A_89 = arith.muli %scan3A_86, %mul3A_88 : i32
        %get3A = arith.index_cast %mul3A_89 : i32 to index
        %get3A_90 = tpu.vector_load %arg10[%get3A] {strides = array<i32>} : memref<2000xi32, #tpu.memory_space<vmem>>, vector<16xi32>,
        %get3A_91 = arith.index_cast %mul3A_89 : i32 to index
        %get3A_92 = tpu.vector_load %arg11[%get3A_91] {strides = array<i32>} : memref<2000xi32, #tpu.memory_space<vmem>>, vector<16xi32>,
        %gather3A = tpu.vector_load_idx %arg15[%get3A_90] : memref<10240xf32, #tpu.memory_space<vmem>>[vector<16xi32>], vector<16xf32>,
        %gather3A_93 = tpu.vector_load_idx %arg15[%get3A_92] : memref<10240xf32, #tpu.memory_space<vmem>>[vector<16xi32>], vector<16xf32>,
        %gather3A_94 = tpu.vector_load_idx %arg16[%get3A_90] : memref<10240xi32, #tpu.memory_space<vmem>>[vector<16xi32>], vector<16xi32>,
        %mul3A_95 = arith.mulf %gather3A, %gather3A_93 : vector<16xf32>
        %swap3A = arith.index_cast %mul3A_89 : i32 to index
        %swap3A_96 = tpu.vector_load %arg12[%swap3A] {strides = array<i32>} : memref<2000xf32, #tpu.memory_space<vmem>>, vector<16xf32>,
        tpu.vector_store %arg12[%swap3A], %mul3A_95 {strides = array<i32>} : memref<2000xf32, #tpu.memory_space<vmem>>, vector<16xf32>,
        %mul3A_97 = arith.constant 128 : i32
        %mul3A_98 = vector.broadcast %mul3A_97 : i32 to vector<16xi32>
        %mul3A_99 = arith.muli %get3A_92, %mul3A_98 : vector<16xi32>
        %add3A_100 = arith.addi %mul3A_99, %gather3A_94 : vector<16xi32>
        %swap3A_101 = arith.index_cast %mul3A_89 : i32 to index
        %swap3A_102 = tpu.vector_load %arg13[%swap3A_101] {strides = array<i32>} : memref<2000xi32, #tpu.memory_space<vmem>>, vector<16xi32>,
        tpu.vector_store %arg13[%swap3A_101], %add3A_100 {strides = array<i32>} : memref<2000xi32, #tpu.memory_space<vmem>>, vector<16xi32>,
        %scan3A_103 = arith.constant 0 : i32
        scf.yield %scan3A_103 : i32
      }
      %scan3A_84 = arith.constant 125 : i32
      "tpu.region"() ({
        %run_scoped3A = tpu.sem_alloc : memref<!tpu.dma_semaphore, #tpu.memory_space<semaphore_mem>>
        %dma_start3A = arith.constant 0 : i32
        %dma_start3A_86 = tpu.memref_slice %arg7[%dma_start3A] : memref<1310720xf32, #tpu.memory_space<vmem_shared>> -> memref<1310720xf32, #tpu.memory_space<vmem_shared>>
        tpu.enqueue_indirect_dma source(%arg12 : memref<2000xf32, #tpu.memory_space<vmem>>) target(%dma_start3A_86 : memref<1310720xf32, #tpu.memory_space<vmem_shared>>) offsets(%arg13 : memref<2000xi32, #tpu.memory_space<vmem>>) semaphore(%run_scoped3A : memref<!tpu.dma_semaphore, #tpu.memory_space<semaphore_mem>>) {add = true}
        %dma_wait3A = arith.constant 0 : i32
        %dma_wait3A_87 = tpu.memref_slice %arg7[%dma_wait3A] : memref<1310720xf32, #tpu.memory_space<vmem_shared>> -> memref<1310720xf32, #tpu.memory_space<vmem_shared>>
        tpu.wait_indirect_dma semaphore(%run_scoped3A : memref<!tpu.dma_semaphore, #tpu.memory_space<semaphore_mem>>) src(%arg12 : memref<2000xf32, #tpu.memory_space<vmem>>) dst(%dma_wait3A_87 : memref<1310720xf32, #tpu.memory_space<vmem_shared>>)
        tpu.yield
      }) : () -> ()
      %scan3A_85 = arith.constant 0 : i32
      scf.yield %scan3A_85 : i32
    }
    %scan3A_59 = arith.constant 5 : i32
    %barrier3A_60 = arith.constant 0 : index
    tpu.barrier barrier_id(%barrier3A_60)
    %eq3A_61 = arith.constant 0 : i32
    %eq3A_62 = arith.cmpi eq, %arg0, %eq3A_61 : i32
    %convert_element_type3A_63 = arith.extui %eq3A_62 : i1 to i32
    %cond3A_64 = arith.constant 0 : i32
    %cond3A_65 = arith.cmpi ne, %convert_element_type3A_63, %cond3A_64 : i32
    scf.if %cond3A_65 {
      "tpu.region"() ({
        %run_scoped3A = tpu.sem_alloc : memref<!tpu.dma_semaphore, #tpu.memory_space<semaphore_mem>>
        %dma_start3A = tpu.memref_slice %arg4[%mul3A_6] : memref<1310720xf32, #tpu.memory_space<hbm>> -> memref<81920xf32, #tpu.memory_space<hbm>>
        %dma_start3A_71 = tpu.memref_slice %arg7[%mul3A_6] : memref<1310720xf32, #tpu.memory_space<vmem_shared>> -> memref<81920xf32, #tpu.memory_space<vmem_shared>>
        tpu.enqueue_dma source(%dma_start3A_71 : memref<81920xf32, #tpu.memory_space<vmem_shared>>) target(%dma_start3A : memref<81920xf32, #tpu.memory_space<hbm>>) target_semaphore(%run_scoped3A : memref<!tpu.dma_semaphore, #tpu.memory_space<semaphore_mem>>)
        %dma_wait3A = tpu.memref_slice %arg4[%mul3A_6] : memref<1310720xf32, #tpu.memory_space<hbm>> -> memref<81920xf32, #tpu.memory_space<hbm>>
        %dma_wait3A_72 = tpu.memref_slice %arg7[%mul3A_6] : memref<1310720xf32, #tpu.memory_space<vmem_shared>> -> memref<81920xf32, #tpu.memory_space<vmem_shared>>
        tpu.wait_dma2 semaphore(%run_scoped3A : memref<!tpu.dma_semaphore, #tpu.memory_space<semaphore_mem>>) src(%dma_wait3A_72 : memref<81920xf32, #tpu.memory_space<vmem_shared>>) dst(%dma_wait3A : memref<81920xf32, #tpu.memory_space<hbm>>)
        tpu.yield
      }) : () -> ()
    } else {
    }
    %eq3A_66 = arith.constant 1 : i32
    %eq3A_67 = arith.cmpi eq, %arg0, %eq3A_66 : i32
    %convert_element_type3A_68 = arith.extui %eq3A_67 : i1 to i32
    %cond3A_69 = arith.constant 0 : i32
    %cond3A_70 = arith.cmpi ne, %convert_element_type3A_68, %cond3A_69 : i32
    scf.if %cond3A_70 {
      "tpu.region"() ({
        %run_scoped3A = tpu.sem_alloc : memref<!tpu.dma_semaphore, #tpu.memory_space<semaphore_mem>>
        %dma_start3A = tpu.memref_slice %arg5[%mul3A_6] : memref<1310720xf32, #tpu.memory_space<hbm>> -> memref<81920xf32, #tpu.memory_space<hbm>>
        %dma_start3A_71 = tpu.memref_slice %arg7[%mul3A_6] : memref<1310720xf32, #tpu.memory_space<vmem_shared>> -> memref<81920xf32, #tpu.memory_space<vmem_shared>>
        tpu.enqueue_dma source(%dma_start3A_71 : memref<81920xf32, #tpu.memory_space<vmem_shared>>) target(%dma_start3A : memref<81920xf32, #tpu.memory_space<hbm>>) target_semaphore(%run_scoped3A : memref<!tpu.dma_semaphore, #tpu.memory_space<semaphore_mem>>)
        %dma_wait3A = tpu.memref_slice %arg5[%mul3A_6] : memref<1310720xf32, #tpu.memory_space<hbm>> -> memref<81920xf32, #tpu.memory_space<hbm>>
        %dma_wait3A_72 = tpu.memref_slice %arg7[%mul3A_6] : memref<1310720xf32, #tpu.memory_space<vmem_shared>> -> memref<81920xf32, #tpu.memory_space<vmem_shared>>
        tpu.wait_dma2 semaphore(%run_scoped3A : memref<!tpu.dma_semaphore, #tpu.memory_space<semaphore_mem>>) src(%dma_wait3A_72 : memref<81920xf32, #tpu.memory_space<vmem_shared>>) dst(%dma_wait3A : memref<81920xf32, #tpu.memory_space<hbm>>)
        tpu.yield
      }) : () -> ()
    } else {
    }
    return
  }
}

#map = affine_map<(d0, d1) -> (0)>
#map1 = affine_map<(d0, d1) -> (0, 0)>
#map2 = affine_map<(d0, d1) -> (0, 0, 0)>
module attributes {stable_mosaic.version = 14 : i64} {
  func.func @_smat_body(%arg0: i32, %arg1: i32, %arg2: memref<640000xi32, #tpu.memory_space<hbm>>, %arg3: memref<10240x128xf32, #tpu.memory_space<hbm>>, %arg4: memref<2x10240x128xf32, #tpu.memory_space<hbm>>, %arg5: memref<10240x128xf32, #tpu.memory_space<vmem_shared>>, %arg6: memref<80xi32, #tpu.memory_space<vmem>>, %arg7: memref<80xi32, #tpu.memory_space<vmem>>, %arg8: memref<80x128xf32, #tpu.memory_space<vmem>>, %arg9: memref<!tpu.dma_semaphore, #tpu.memory_space<semaphore_mem>>, %arg10: memref<!tpu.dma_semaphore, #tpu.memory_space<semaphore_mem>>, %arg11: memref<80xi32, #tpu.memory_space<vmem>>, %arg12: memref<80xi32, #tpu.memory_space<vmem>>, %arg13: memref<80x128xf32, #tpu.memory_space<vmem>>, %arg14: memref<!tpu.dma_semaphore, #tpu.memory_space<semaphore_mem>>, %arg15: memref<!tpu.dma_semaphore, #tpu.memory_space<semaphore_mem>>, %arg16: memref<80xi32, #tpu.memory_space<vmem>>, %arg17: memref<80xi32, #tpu.memory_space<vmem>>, %arg18: memref<80x128xf32, #tpu.memory_space<vmem>>, %arg19: memref<!tpu.dma_semaphore, #tpu.memory_space<semaphore_mem>>, %arg20: memref<!tpu.dma_semaphore, #tpu.memory_space<semaphore_mem>>) attributes {dimension_semantics = [#tpu.dimension_semantics<core_parallel>, #tpu.dimension_semantics<subcore_parallel>], iteration_bounds = array<i64: 2, 16>, scalar_prefetch = 0 : i64, scratch_operands = 16 : i64, tpu.core_type = #tpu.core_type<sc_vector_subcore>, window_params = [{transform_indices = #map}, {transform_indices = #map1}, {transform_indices = #map2}]} {
    %scan3A = arith.constant 0 : i32
    %scan3A_0 = arith.constant 0 : i32
    %scan3A_1 = arith.constant 80 : i32
    %scan3A_2 = arith.addi %scan3A_0, %scan3A_1 : i32
    %scan3A_3 = arith.constant 1 : i32
    %scan3A_4 = scf.for %scan3A_48 = %scan3A_0 to %scan3A_2 step %scan3A_3 iter_args(%scan3A_49 = %scan3A) -> (i32)  : i32 {
      %scan3A_50 = arith.constant 0 : i32
      %scan3A_51 = arith.constant 0 : i32
      %scan3A_52 = arith.constant 8 : i32
      %scan3A_53 = arith.addi %scan3A_51, %scan3A_52 : i32
      %scan3A_54 = arith.constant 1 : i32
      %scan3A_55 = scf.for %scan3A_58 = %scan3A_51 to %scan3A_53 step %scan3A_54 iter_args(%scan3A_59 = %scan3A_50) -> (i32)  : i32 {
        %broadcast_in_dim3A = arith.constant 0.000000e+00 : f32
        %broadcast_in_dim3A_60 = vector.broadcast %broadcast_in_dim3A : f32 to vector<16xf32>
        %mul3A_61 = arith.constant 16 : i32
        %mul3A_62 = arith.muli %scan3A_58, %mul3A_61 : i32
        %swap3A = arith.index_cast %scan3A_48 : i32 to index
        %swap3A_63 = arith.index_cast %mul3A_62 : i32 to index
        %swap3A_64 = tpu.vector_load %arg8[%swap3A, %swap3A_63] {strides = array<i32>} : memref<80x128xf32, #tpu.memory_space<vmem>>, vector<1x16xf32>,
        %swap3A_65 = vector.shape_cast %swap3A_64 : vector<1x16xf32> to vector<16xf32>
        %swap3A_66 = vector.shape_cast %broadcast_in_dim3A_60 : vector<16xf32> to vector<1x16xf32>
        tpu.vector_store %arg8[%swap3A, %swap3A_63], %swap3A_66 {strides = array<i32>} : memref<80x128xf32, #tpu.memory_space<vmem>>, vector<1x16xf32>,
        %scan3A_67 = arith.constant 0 : i32
        scf.yield %scan3A_67 : i32
      }
      %scan3A_56 = arith.constant 8 : i32
      %scan3A_57 = arith.constant 0 : i32
      scf.yield %scan3A_57 : i32
    }
    %scan3A_5 = arith.constant 80 : i32
    %scan3A_6 = arith.constant 0 : i32
    %scan3A_7 = arith.constant 0 : i32
    %scan3A_8 = arith.constant 8 : i32
    %scan3A_9 = arith.addi %scan3A_7, %scan3A_8 : i32
    %scan3A_10 = arith.constant 1 : i32
    %scan3A_11 = scf.for %scan3A_48 = %scan3A_7 to %scan3A_9 step %scan3A_10 iter_args(%scan3A_49 = %scan3A_6) -> (i32)  : i32 {
      %mul3A_50 = arith.constant 640 : i32
      %mul3A_51 = arith.muli %arg1, %mul3A_50 : i32
      %mul3A_52 = arith.constant 80 : i32
      %mul3A_53 = arith.muli %scan3A_48, %mul3A_52 : i32
      %add3A_54 = arith.addi %mul3A_51, %mul3A_53 : i32
      "tpu.region"() ({
        %run_scoped3A = tpu.sem_alloc : memref<!tpu.dma_semaphore, #tpu.memory_space<semaphore_mem>>
        %dma_start3A_56 = arith.constant 0 : i32
        %dma_start3A_57 = tpu.memref_slice %arg5[%add3A_54, %dma_start3A_56] : memref<10240x128xf32, #tpu.memory_space<vmem_shared>> -> memref<80x128xf32, #tpu.memory_space<vmem_shared>>
        %dma_start3A_58 = arith.constant 0 : i32
        %dma_start3A_59 = tpu.memref_slice %arg5[%add3A_54, %dma_start3A_58] : memref<10240x128xf32, #tpu.memory_space<vmem_shared>> -> memref<80x128xf32, #tpu.memory_space<vmem_shared>>
        tpu.enqueue_dma source(%arg8 : memref<80x128xf32, #tpu.memory_space<vmem>>) target(%dma_start3A_59 : memref<80x128xf32, #tpu.memory_space<vmem_shared>>) target_semaphore(%run_scoped3A : memref<!tpu.dma_semaphore, #tpu.memory_space<semaphore_mem>>)
        %dma_wait3A_60 = arith.constant 0 : i32
        %dma_wait3A_61 = tpu.memref_slice %arg5[%add3A_54, %dma_wait3A_60] : memref<10240x128xf32, #tpu.memory_space<vmem_shared>> -> memref<80x128xf32, #tpu.memory_space<vmem_shared>>
        %dma_wait3A_62 = arith.constant 0 : i32
        %dma_wait3A_63 = tpu.memref_slice %arg5[%add3A_54, %dma_wait3A_62] : memref<10240x128xf32, #tpu.memory_space<vmem_shared>> -> memref<80x128xf32, #tpu.memory_space<vmem_shared>>
        tpu.wait_dma2 semaphore(%run_scoped3A : memref<!tpu.dma_semaphore, #tpu.memory_space<semaphore_mem>>) src(%arg8 : memref<80x128xf32, #tpu.memory_space<vmem>>) dst(%dma_wait3A_63 : memref<80x128xf32, #tpu.memory_space<vmem_shared>>)
        tpu.yield
      }) : () -> ()
      %scan3A_55 = arith.constant 0 : i32
      scf.yield %scan3A_55 : i32
    }
    %scan3A_12 = arith.constant 8 : i32
    %barrier3A = arith.constant 0 : index
    tpu.barrier barrier_id(%barrier3A)
    %mul3A = arith.constant 16 : i32
    %mul3A_13 = arith.muli %arg0, %mul3A : i32
    %add3A = arith.addi %mul3A_13, %arg1 : i32
    %mul3A_14 = arith.constant 10000 : i32
    %mul3A_15 = arith.muli %add3A, %mul3A_14 : i32
    "tpu.region"() ({
      %run_scoped3A = tpu.sem_alloc : memref<!tpu.dma_semaphore, #tpu.memory_space<semaphore_mem>>
      %dma_start3A_48 = tpu.memref_slice %arg2[%mul3A_15] : memref<640000xi32, #tpu.memory_space<hbm>> -> memref<80xi32, #tpu.memory_space<hbm>>
      %dma_start3A_49 = tpu.memref_slice %arg2[%mul3A_15] : memref<640000xi32, #tpu.memory_space<hbm>> -> memref<80xi32, #tpu.memory_space<hbm>>
      tpu.enqueue_dma source(%dma_start3A_49 : memref<80xi32, #tpu.memory_space<hbm>>) target(%arg6 : memref<80xi32, #tpu.memory_space<vmem>>) target_semaphore(%run_scoped3A : memref<!tpu.dma_semaphore, #tpu.memory_space<semaphore_mem>>)
      %dma_wait3A_50 = tpu.memref_slice %arg2[%mul3A_15] : memref<640000xi32, #tpu.memory_space<hbm>> -> memref<80xi32, #tpu.memory_space<hbm>>
      %dma_wait3A_51 = tpu.memref_slice %arg2[%mul3A_15] : memref<640000xi32, #tpu.memory_space<hbm>> -> memref<80xi32, #tpu.memory_space<hbm>>
      tpu.wait_dma2 semaphore(%run_scoped3A : memref<!tpu.dma_semaphore, #tpu.memory_space<semaphore_mem>>) src(%dma_wait3A_51 : memref<80xi32, #tpu.memory_space<hbm>>) dst(%arg6 : memref<80xi32, #tpu.memory_space<vmem>>)
      tpu.yield
    }) : () -> ()
    %dma_start3A = arith.constant 0 : i32
    %dma_start3A_16 = arith.constant 0 : i32
    %dma_start3A_17 = tpu.memref_slice %arg3[%dma_start3A, %dma_start3A_16] : memref<10240x128xf32, #tpu.memory_space<hbm>> -> memref<10240x128xf32, #tpu.memory_space<hbm>>
    tpu.enqueue_indirect_dma source(%dma_start3A_17 : memref<10240x128xf32, #tpu.memory_space<hbm>>) target(%arg8 : memref<80x128xf32, #tpu.memory_space<vmem>>) offsets(%arg6 : memref<80xi32, #tpu.memory_space<vmem>>) semaphore(%arg9 : memref<!tpu.dma_semaphore, #tpu.memory_space<semaphore_mem>>)
    %scan3A_18 = arith.constant 0 : i32
    %scan3A_19 = arith.constant 0 : i32
    %scan3A_20 = arith.constant 42 : i32
    %scan3A_21 = arith.addi %scan3A_19, %scan3A_20 : i32
    %scan3A_22 = arith.constant 1 : i32
    %scan3A_23 = scf.for %scan3A_48 = %scan3A_19 to %scan3A_21 step %scan3A_22 iter_args(%scan3A_49 = %scan3A_18) -> (i32)  : i32 {
      %mul3A_50 = arith.constant 3 : i32
      %mul3A_51 = arith.muli %mul3A_50, %scan3A_48 : i32
      %add3A_52 = arith.constant 0 : i32
      %add3A_53 = arith.addi %mul3A_51, %add3A_52 : i32
      %add3A_54 = arith.constant 1 : i32
      %add3A_55 = arith.addi %add3A_53, %add3A_54 : i32
      %le3A = arith.constant 124 : i32
      %le3A_56 = arith.cmpi sle, %add3A_55, %le3A : i32
      %convert_element_type3A = arith.extui %le3A_56 : i1 to i32
      %cond3A = arith.constant 0 : i32
      %cond3A_57 = arith.cmpi ne, %convert_element_type3A, %cond3A : i32
      scf.if %cond3A_57 {
        %add3A_96 = arith.constant 1 : i32
        %add3A_97 = arith.addi %add3A_53, %add3A_96 : i32
        %ge3A = arith.constant 3 : i32
        %ge3A_98 = arith.cmpi sge, %add3A_97, %ge3A : i32
        %convert_element_type3A_99 = arith.extui %ge3A_98 : i1 to i32
        %cond3A_100 = arith.constant 0 : i32
        %cond3A_101 = arith.cmpi ne, %convert_element_type3A_99, %cond3A_100 : i32
        scf.if %cond3A_101 {
          %dma_wait3A_108 = arith.constant 0 : i32
          %dma_wait3A_109 = arith.constant 0 : i32
          %dma_wait3A_110 = tpu.memref_slice %arg5[%dma_wait3A_108, %dma_wait3A_109] : memref<10240x128xf32, #tpu.memory_space<vmem_shared>> -> memref<10240x128xf32, #tpu.memory_space<vmem_shared>>
          tpu.wait_indirect_dma semaphore(%arg15 : memref<!tpu.dma_semaphore, #tpu.memory_space<semaphore_mem>>) src(%arg13 : memref<80x128xf32, #tpu.memory_space<vmem>>) dst(%dma_wait3A_110 : memref<10240x128xf32, #tpu.memory_space<vmem_shared>>)
        } else {
        }
        %mul3A_102 = arith.constant 80 : i32
        %mul3A_103 = arith.muli %add3A_97, %mul3A_102 : i32
        %add3A_104 = arith.addi %mul3A_15, %mul3A_103 : i32
        "tpu.region"() ({
          %run_scoped3A = tpu.sem_alloc : memref<!tpu.dma_semaphore, #tpu.memory_space<semaphore_mem>>
          %dma_start3A_108 = tpu.memref_slice %arg2[%add3A_104] : memref<640000xi32, #tpu.memory_space<hbm>> -> memref<80xi32, #tpu.memory_space<hbm>>
          %dma_start3A_109 = tpu.memref_slice %arg2[%add3A_104] : memref<640000xi32, #tpu.memory_space<hbm>> -> memref<80xi32, #tpu.memory_space<hbm>>
          tpu.enqueue_dma source(%dma_start3A_109 : memref<80xi32, #tpu.memory_space<hbm>>) target(%arg11 : memref<80xi32, #tpu.memory_space<vmem>>) target_semaphore(%run_scoped3A : memref<!tpu.dma_semaphore, #tpu.memory_space<semaphore_mem>>)
          %dma_wait3A_110 = tpu.memref_slice %arg2[%add3A_104] : memref<640000xi32, #tpu.memory_space<hbm>> -> memref<80xi32, #tpu.memory_space<hbm>>
          %dma_wait3A_111 = tpu.memref_slice %arg2[%add3A_104] : memref<640000xi32, #tpu.memory_space<hbm>> -> memref<80xi32, #tpu.memory_space<hbm>>
          tpu.wait_dma2 semaphore(%run_scoped3A : memref<!tpu.dma_semaphore, #tpu.memory_space<semaphore_mem>>) src(%dma_wait3A_111 : memref<80xi32, #tpu.memory_space<hbm>>) dst(%arg11 : memref<80xi32, #tpu.memory_space<vmem>>)
          tpu.yield
        }) : () -> ()
        %dma_start3A_105 = arith.constant 0 : i32
        %dma_start3A_106 = arith.constant 0 : i32
        %dma_start3A_107 = tpu.memref_slice %arg3[%dma_start3A_105, %dma_start3A_106] : memref<10240x128xf32, #tpu.memory_space<hbm>> -> memref<10240x128xf32, #tpu.memory_space<hbm>>
        tpu.enqueue_indirect_dma source(%dma_start3A_107 : memref<10240x128xf32, #tpu.memory_space<hbm>>) target(%arg13 : memref<80x128xf32, #tpu.memory_space<vmem>>) offsets(%arg11 : memref<80xi32, #tpu.memory_space<vmem>>) semaphore(%arg14 : memref<!tpu.dma_semaphore, #tpu.memory_space<semaphore_mem>>)
      } else {
      }
      %le3A_58 = arith.constant 123 : i32
      %le3A_59 = arith.cmpi sle, %add3A_53, %le3A_58 : i32
      %convert_element_type3A_60 = arith.extui %le3A_59 : i1 to i32
      %cond3A_61 = arith.constant 0 : i32
      %cond3A_62 = arith.cmpi ne, %convert_element_type3A_60, %cond3A_61 : i32
      scf.if %cond3A_62 {
        %dma_wait3A_96 = arith.constant 0 : i32
        %dma_wait3A_97 = arith.constant 0 : i32
        %dma_wait3A_98 = tpu.memref_slice %arg3[%dma_wait3A_96, %dma_wait3A_97] : memref<10240x128xf32, #tpu.memory_space<hbm>> -> memref<10240x128xf32, #tpu.memory_space<hbm>>
        tpu.wait_indirect_dma semaphore(%arg9 : memref<!tpu.dma_semaphore, #tpu.memory_space<semaphore_mem>>) src(%dma_wait3A_98 : memref<10240x128xf32, #tpu.memory_space<hbm>>) dst(%arg8 : memref<80x128xf32, #tpu.memory_space<vmem>>)
        %add3A_99 = arith.constant 320000 : i32
        %add3A_100 = arith.addi %add3A_99, %mul3A_15 : i32
        %mul3A_101 = arith.constant 80 : i32
        %mul3A_102 = arith.muli %add3A_53, %mul3A_101 : i32
        %add3A_103 = arith.addi %add3A_100, %mul3A_102 : i32
        "tpu.region"() ({
          %run_scoped3A = tpu.sem_alloc : memref<!tpu.dma_semaphore, #tpu.memory_space<semaphore_mem>>
          %dma_start3A_107 = tpu.memref_slice %arg2[%add3A_103] : memref<640000xi32, #tpu.memory_space<hbm>> -> memref<80xi32, #tpu.memory_space<hbm>>
          %dma_start3A_108 = tpu.memref_slice %arg2[%add3A_103] : memref<640000xi32, #tpu.memory_space<hbm>> -> memref<80xi32, #tpu.memory_space<hbm>>
          tpu.enqueue_dma source(%dma_start3A_108 : memref<80xi32, #tpu.memory_space<hbm>>) target(%arg7 : memref<80xi32, #tpu.memory_space<vmem>>) target_semaphore(%run_scoped3A : memref<!tpu.dma_semaphore, #tpu.memory_space<semaphore_mem>>)
          %dma_wait3A_109 = tpu.memref_slice %arg2[%add3A_103] : memref<640000xi32, #tpu.memory_space<hbm>> -> memref<80xi32, #tpu.memory_space<hbm>>
          %dma_wait3A_110 = tpu.memref_slice %arg2[%add3A_103] : memref<640000xi32, #tpu.memory_space<hbm>> -> memref<80xi32, #tpu.memory_space<hbm>>
          tpu.wait_dma2 semaphore(%run_scoped3A : memref<!tpu.dma_semaphore, #tpu.memory_space<semaphore_mem>>) src(%dma_wait3A_110 : memref<80xi32, #tpu.memory_space<hbm>>) dst(%arg7 : memref<80xi32, #tpu.memory_space<vmem>>)
          tpu.yield
        }) : () -> ()
        %dma_start3A_104 = arith.constant 0 : i32
        %dma_start3A_105 = arith.constant 0 : i32
        %dma_start3A_106 = tpu.memref_slice %arg5[%dma_start3A_104, %dma_start3A_105] : memref<10240x128xf32, #tpu.memory_space<vmem_shared>> -> memref<10240x128xf32, #tpu.memory_space<vmem_shared>>
        tpu.enqueue_indirect_dma source(%arg8 : memref<80x128xf32, #tpu.memory_space<vmem>>) target(%dma_start3A_106 : memref<10240x128xf32, #tpu.memory_space<vmem_shared>>) offsets(%arg7 : memref<80xi32, #tpu.memory_space<vmem>>) semaphore(%arg10 : memref<!tpu.dma_semaphore, #tpu.memory_space<semaphore_mem>>) {add = true}
      } else {
      }
      %mul3A_63 = arith.constant 3 : i32
      %mul3A_64 = arith.muli %mul3A_63, %scan3A_48 : i32
      %add3A_65 = arith.constant 1 : i32
      %add3A_66 = arith.addi %mul3A_64, %add3A_65 : i32
      %add3A_67 = arith.constant 1 : i32
      %add3A_68 = arith.addi %add3A_66, %add3A_67 : i32
      %le3A_69 = arith.constant 124 : i32
      %le3A_70 = arith.cmpi sle, %add3A_68, %le3A_69 : i32
      %convert_element_type3A_71 = arith.extui %le3A_70 : i1 to i32
      %cond3A_72 = arith.constant 0 : i32
      %cond3A_73 = arith.cmpi ne, %convert_element_type3A_71, %cond3A_72 : i32
      scf.if %cond3A_73 {
        %add3A_96 = arith.constant 1 : i32
        %add3A_97 = arith.addi %add3A_66, %add3A_96 : i32
        %ge3A = arith.constant 3 : i32
        %ge3A_98 = arith.cmpi sge, %add3A_97, %ge3A : i32
        %convert_element_type3A_99 = arith.extui %ge3A_98 : i1 to i32
        %cond3A_100 = arith.constant 0 : i32
        %cond3A_101 = arith.cmpi ne, %convert_element_type3A_99, %cond3A_100 : i32
        scf.if %cond3A_101 {
          %dma_wait3A_108 = arith.constant 0 : i32
          %dma_wait3A_109 = arith.constant 0 : i32
          %dma_wait3A_110 = tpu.memref_slice %arg5[%dma_wait3A_108, %dma_wait3A_109] : memref<10240x128xf32, #tpu.memory_space<vmem_shared>> -> memref<10240x128xf32, #tpu.memory_space<vmem_shared>>
          tpu.wait_indirect_dma semaphore(%arg20 : memref<!tpu.dma_semaphore, #tpu.memory_space<semaphore_mem>>) src(%arg18 : memref<80x128xf32, #tpu.memory_space<vmem>>) dst(%dma_wait3A_110 : memref<10240x128xf32, #tpu.memory_space<vmem_shared>>)
        } else {
        }
        %mul3A_102 = arith.constant 80 : i32
        %mul3A_103 = arith.muli %add3A_97, %mul3A_102 : i32
        %add3A_104 = arith.addi %mul3A_15, %mul3A_103 : i32
        "tpu.region"() ({
          %run_scoped3A = tpu.sem_alloc : memref<!tpu.dma_semaphore, #tpu.memory_space<semaphore_mem>>
          %dma_start3A_108 = tpu.memref_slice %arg2[%add3A_104] : memref<640000xi32, #tpu.memory_space<hbm>> -> memref<80xi32, #tpu.memory_space<hbm>>
          %dma_start3A_109 = tpu.memref_slice %arg2[%add3A_104] : memref<640000xi32, #tpu.memory_space<hbm>> -> memref<80xi32, #tpu.memory_space<hbm>>
          tpu.enqueue_dma source(%dma_start3A_109 : memref<80xi32, #tpu.memory_space<hbm>>) target(%arg16 : memref<80xi32, #tpu.memory_space<vmem>>) target_semaphore(%run_scoped3A : memref<!tpu.dma_semaphore, #tpu.memory_space<semaphore_mem>>)
          %dma_wait3A_110 = tpu.memref_slice %arg2[%add3A_104] : memref<640000xi32, #tpu.memory_space<hbm>> -> memref<80xi32, #tpu.memory_space<hbm>>
          %dma_wait3A_111 = tpu.memref_slice %arg2[%add3A_104] : memref<640000xi32, #tpu.memory_space<hbm>> -> memref<80xi32, #tpu.memory_space<hbm>>
          tpu.wait_dma2 semaphore(%run_scoped3A : memref<!tpu.dma_semaphore, #tpu.memory_space<semaphore_mem>>) src(%dma_wait3A_111 : memref<80xi32, #tpu.memory_space<hbm>>) dst(%arg16 : memref<80xi32, #tpu.memory_space<vmem>>)
          tpu.yield
        }) : () -> ()
        %dma_start3A_105 = arith.constant 0 : i32
        %dma_start3A_106 = arith.constant 0 : i32
        %dma_start3A_107 = tpu.memref_slice %arg3[%dma_start3A_105, %dma_start3A_106] : memref<10240x128xf32, #tpu.memory_space<hbm>> -> memref<10240x128xf32, #tpu.memory_space<hbm>>
        tpu.enqueue_indirect_dma source(%dma_start3A_107 : memref<10240x128xf32, #tpu.memory_space<hbm>>) target(%arg18 : memref<80x128xf32, #tpu.memory_space<vmem>>) offsets(%arg16 : memref<80xi32, #tpu.memory_space<vmem>>) semaphore(%arg19 : memref<!tpu.dma_semaphore, #tpu.memory_space<semaphore_mem>>)
      } else {
      }
      %le3A_74 = arith.constant 123 : i32
      %le3A_75 = arith.cmpi sle, %add3A_66, %le3A_74 : i32
      %convert_element_type3A_76 = arith.extui %le3A_75 : i1 to i32
      %cond3A_77 = arith.constant 0 : i32
      %cond3A_78 = arith.cmpi ne, %convert_element_type3A_76, %cond3A_77 : i32
      scf.if %cond3A_78 {
        %dma_wait3A_96 = arith.constant 0 : i32
        %dma_wait3A_97 = arith.constant 0 : i32
        %dma_wait3A_98 = tpu.memref_slice %arg3[%dma_wait3A_96, %dma_wait3A_97] : memref<10240x128xf32, #tpu.memory_space<hbm>> -> memref<10240x128xf32, #tpu.memory_space<hbm>>
        tpu.wait_indirect_dma semaphore(%arg14 : memref<!tpu.dma_semaphore, #tpu.memory_space<semaphore_mem>>) src(%dma_wait3A_98 : memref<10240x128xf32, #tpu.memory_space<hbm>>) dst(%arg13 : memref<80x128xf32, #tpu.memory_space<vmem>>)
        %add3A_99 = arith.constant 320000 : i32
        %add3A_100 = arith.addi %add3A_99, %mul3A_15 : i32
        %mul3A_101 = arith.constant 80 : i32
        %mul3A_102 = arith.muli %add3A_66, %mul3A_101 : i32
        %add3A_103 = arith.addi %add3A_100, %mul3A_102 : i32
        "tpu.region"() ({
          %run_scoped3A = tpu.sem_alloc : memref<!tpu.dma_semaphore, #tpu.memory_space<semaphore_mem>>
          %dma_start3A_107 = tpu.memref_slice %arg2[%add3A_103] : memref<640000xi32, #tpu.memory_space<hbm>> -> memref<80xi32, #tpu.memory_space<hbm>>
          %dma_start3A_108 = tpu.memref_slice %arg2[%add3A_103] : memref<640000xi32, #tpu.memory_space<hbm>> -> memref<80xi32, #tpu.memory_space<hbm>>
          tpu.enqueue_dma source(%dma_start3A_108 : memref<80xi32, #tpu.memory_space<hbm>>) target(%arg12 : memref<80xi32, #tpu.memory_space<vmem>>) target_semaphore(%run_scoped3A : memref<!tpu.dma_semaphore, #tpu.memory_space<semaphore_mem>>)
          %dma_wait3A_109 = tpu.memref_slice %arg2[%add3A_103] : memref<640000xi32, #tpu.memory_space<hbm>> -> memref<80xi32, #tpu.memory_space<hbm>>
          %dma_wait3A_110 = tpu.memref_slice %arg2[%add3A_103] : memref<640000xi32, #tpu.memory_space<hbm>> -> memref<80xi32, #tpu.memory_space<hbm>>
          tpu.wait_dma2 semaphore(%run_scoped3A : memref<!tpu.dma_semaphore, #tpu.memory_space<semaphore_mem>>) src(%dma_wait3A_110 : memref<80xi32, #tpu.memory_space<hbm>>) dst(%arg12 : memref<80xi32, #tpu.memory_space<vmem>>)
          tpu.yield
        }) : () -> ()
        %dma_start3A_104 = arith.constant 0 : i32
        %dma_start3A_105 = arith.constant 0 : i32
        %dma_start3A_106 = tpu.memref_slice %arg5[%dma_start3A_104, %dma_start3A_105] : memref<10240x128xf32, #tpu.memory_space<vmem_shared>> -> memref<10240x128xf32, #tpu.memory_space<vmem_shared>>
        tpu.enqueue_indirect_dma source(%arg13 : memref<80x128xf32, #tpu.memory_space<vmem>>) target(%dma_start3A_106 : memref<10240x128xf32, #tpu.memory_space<vmem_shared>>) offsets(%arg12 : memref<80xi32, #tpu.memory_space<vmem>>) semaphore(%arg15 : memref<!tpu.dma_semaphore, #tpu.memory_space<semaphore_mem>>) {add = true}
      } else {
      }
      %mul3A_79 = arith.constant 3 : i32
      %mul3A_80 = arith.muli %mul3A_79, %scan3A_48 : i32
      %add3A_81 = arith.constant 2 : i32
      %add3A_82 = arith.addi %mul3A_80, %add3A_81 : i32
      %add3A_83 = arith.constant 1 : i32
      %add3A_84 = arith.addi %add3A_82, %add3A_83 : i32
      %le3A_85 = arith.constant 124 : i32
      %le3A_86 = arith.cmpi sle, %add3A_84, %le3A_85 : i32
      %convert_element_type3A_87 = arith.extui %le3A_86 : i1 to i32
      %cond3A_88 = arith.constant 0 : i32
      %cond3A_89 = arith.cmpi ne, %convert_element_type3A_87, %cond3A_88 : i32
      scf.if %cond3A_89 {
        %add3A_96 = arith.constant 1 : i32
        %add3A_97 = arith.addi %add3A_82, %add3A_96 : i32
        %ge3A = arith.constant 3 : i32
        %ge3A_98 = arith.cmpi sge, %add3A_97, %ge3A : i32
        %convert_element_type3A_99 = arith.extui %ge3A_98 : i1 to i32
        %cond3A_100 = arith.constant 0 : i32
        %cond3A_101 = arith.cmpi ne, %convert_element_type3A_99, %cond3A_100 : i32
        scf.if %cond3A_101 {
          %dma_wait3A_108 = arith.constant 0 : i32
          %dma_wait3A_109 = arith.constant 0 : i32
          %dma_wait3A_110 = tpu.memref_slice %arg5[%dma_wait3A_108, %dma_wait3A_109] : memref<10240x128xf32, #tpu.memory_space<vmem_shared>> -> memref<10240x128xf32, #tpu.memory_space<vmem_shared>>
          tpu.wait_indirect_dma semaphore(%arg10 : memref<!tpu.dma_semaphore, #tpu.memory_space<semaphore_mem>>) src(%arg8 : memref<80x128xf32, #tpu.memory_space<vmem>>) dst(%dma_wait3A_110 : memref<10240x128xf32, #tpu.memory_space<vmem_shared>>)
        } else {
        }
        %mul3A_102 = arith.constant 80 : i32
        %mul3A_103 = arith.muli %add3A_97, %mul3A_102 : i32
        %add3A_104 = arith.addi %mul3A_15, %mul3A_103 : i32
        "tpu.region"() ({
          %run_scoped3A = tpu.sem_alloc : memref<!tpu.dma_semaphore, #tpu.memory_space<semaphore_mem>>
          %dma_start3A_108 = tpu.memref_slice %arg2[%add3A_104] : memref<640000xi32, #tpu.memory_space<hbm>> -> memref<80xi32, #tpu.memory_space<hbm>>
          %dma_start3A_109 = tpu.memref_slice %arg2[%add3A_104] : memref<640000xi32, #tpu.memory_space<hbm>> -> memref<80xi32, #tpu.memory_space<hbm>>
          tpu.enqueue_dma source(%dma_start3A_109 : memref<80xi32, #tpu.memory_space<hbm>>) target(%arg6 : memref<80xi32, #tpu.memory_space<vmem>>) target_semaphore(%run_scoped3A : memref<!tpu.dma_semaphore, #tpu.memory_space<semaphore_mem>>)
          %dma_wait3A_110 = tpu.memref_slice %arg2[%add3A_104] : memref<640000xi32, #tpu.memory_space<hbm>> -> memref<80xi32, #tpu.memory_space<hbm>>
          %dma_wait3A_111 = tpu.memref_slice %arg2[%add3A_104] : memref<640000xi32, #tpu.memory_space<hbm>> -> memref<80xi32, #tpu.memory_space<hbm>>
          tpu.wait_dma2 semaphore(%run_scoped3A : memref<!tpu.dma_semaphore, #tpu.memory_space<semaphore_mem>>) src(%dma_wait3A_111 : memref<80xi32, #tpu.memory_space<hbm>>) dst(%arg6 : memref<80xi32, #tpu.memory_space<vmem>>)
          tpu.yield
        }) : () -> ()
        %dma_start3A_105 = arith.constant 0 : i32
        %dma_start3A_106 = arith.constant 0 : i32
        %dma_start3A_107 = tpu.memref_slice %arg3[%dma_start3A_105, %dma_start3A_106] : memref<10240x128xf32, #tpu.memory_space<hbm>> -> memref<10240x128xf32, #tpu.memory_space<hbm>>
        tpu.enqueue_indirect_dma source(%dma_start3A_107 : memref<10240x128xf32, #tpu.memory_space<hbm>>) target(%arg8 : memref<80x128xf32, #tpu.memory_space<vmem>>) offsets(%arg6 : memref<80xi32, #tpu.memory_space<vmem>>) semaphore(%arg9 : memref<!tpu.dma_semaphore, #tpu.memory_space<semaphore_mem>>)
      } else {
      }
      %le3A_90 = arith.constant 123 : i32
      %le3A_91 = arith.cmpi sle, %add3A_82, %le3A_90 : i32
      %convert_element_type3A_92 = arith.extui %le3A_91 : i1 to i32
      %cond3A_93 = arith.constant 0 : i32
      %cond3A_94 = arith.cmpi ne, %convert_element_type3A_92, %cond3A_93 : i32
      scf.if %cond3A_94 {
        %dma_wait3A_96 = arith.constant 0 : i32
        %dma_wait3A_97 = arith.constant 0 : i32
        %dma_wait3A_98 = tpu.memref_slice %arg3[%dma_wait3A_96, %dma_wait3A_97] : memref<10240x128xf32, #tpu.memory_space<hbm>> -> memref<10240x128xf32, #tpu.memory_space<hbm>>
        tpu.wait_indirect_dma semaphore(%arg19 : memref<!tpu.dma_semaphore, #tpu.memory_space<semaphore_mem>>) src(%dma_wait3A_98 : memref<10240x128xf32, #tpu.memory_space<hbm>>) dst(%arg18 : memref<80x128xf32, #tpu.memory_space<vmem>>)
        %add3A_99 = arith.constant 320000 : i32
        %add3A_100 = arith.addi %add3A_99, %mul3A_15 : i32
        %mul3A_101 = arith.constant 80 : i32
        %mul3A_102 = arith.muli %add3A_82, %mul3A_101 : i32
        %add3A_103 = arith.addi %add3A_100, %mul3A_102 : i32
        "tpu.region"() ({
          %run_scoped3A = tpu.sem_alloc : memref<!tpu.dma_semaphore, #tpu.memory_space<semaphore_mem>>
          %dma_start3A_107 = tpu.memref_slice %arg2[%add3A_103] : memref<640000xi32, #tpu.memory_space<hbm>> -> memref<80xi32, #tpu.memory_space<hbm>>
          %dma_start3A_108 = tpu.memref_slice %arg2[%add3A_103] : memref<640000xi32, #tpu.memory_space<hbm>> -> memref<80xi32, #tpu.memory_space<hbm>>
          tpu.enqueue_dma source(%dma_start3A_108 : memref<80xi32, #tpu.memory_space<hbm>>) target(%arg17 : memref<80xi32, #tpu.memory_space<vmem>>) target_semaphore(%run_scoped3A : memref<!tpu.dma_semaphore, #tpu.memory_space<semaphore_mem>>)
          %dma_wait3A_109 = tpu.memref_slice %arg2[%add3A_103] : memref<640000xi32, #tpu.memory_space<hbm>> -> memref<80xi32, #tpu.memory_space<hbm>>
          %dma_wait3A_110 = tpu.memref_slice %arg2[%add3A_103] : memref<640000xi32, #tpu.memory_space<hbm>> -> memref<80xi32, #tpu.memory_space<hbm>>
          tpu.wait_dma2 semaphore(%run_scoped3A : memref<!tpu.dma_semaphore, #tpu.memory_space<semaphore_mem>>) src(%dma_wait3A_110 : memref<80xi32, #tpu.memory_space<hbm>>) dst(%arg17 : memref<80xi32, #tpu.memory_space<vmem>>)
          tpu.yield
        }) : () -> ()
        %dma_start3A_104 = arith.constant 0 : i32
        %dma_start3A_105 = arith.constant 0 : i32
        %dma_start3A_106 = tpu.memref_slice %arg5[%dma_start3A_104, %dma_start3A_105] : memref<10240x128xf32, #tpu.memory_space<vmem_shared>> -> memref<10240x128xf32, #tpu.memory_space<vmem_shared>>
        tpu.enqueue_indirect_dma source(%arg18 : memref<80x128xf32, #tpu.memory_space<vmem>>) target(%dma_start3A_106 : memref<10240x128xf32, #tpu.memory_space<vmem_shared>>) offsets(%arg17 : memref<80xi32, #tpu.memory_space<vmem>>) semaphore(%arg20 : memref<!tpu.dma_semaphore, #tpu.memory_space<semaphore_mem>>) {add = true}
      } else {
      }
      %scan3A_95 = arith.constant 0 : i32
      scf.yield %scan3A_95 : i32
    }
    %scan3A_24 = arith.constant 42 : i32
    %dma_wait3A = arith.constant 0 : i32
    %dma_wait3A_25 = arith.constant 0 : i32
    %dma_wait3A_26 = tpu.memref_slice %arg3[%dma_wait3A, %dma_wait3A_25] : memref<10240x128xf32, #tpu.memory_space<hbm>> -> memref<10240x128xf32, #tpu.memory_space<hbm>>
    tpu.wait_indirect_dma semaphore(%arg14 : memref<!tpu.dma_semaphore, #tpu.memory_space<semaphore_mem>>) src(%dma_wait3A_26 : memref<10240x128xf32, #tpu.memory_space<hbm>>) dst(%arg13 : memref<80x128xf32, #tpu.memory_space<vmem>>)
    %add3A_27 = arith.constant 320000 : i32
    %add3A_28 = arith.addi %add3A_27, %mul3A_15 : i32
    %add3A_29 = arith.constant 9920 : i32
    %add3A_30 = arith.addi %add3A_28, %add3A_29 : i32
    "tpu.region"() ({
      %run_scoped3A = tpu.sem_alloc : memref<!tpu.dma_semaphore, #tpu.memory_space<semaphore_mem>>
      %dma_start3A_48 = tpu.memref_slice %arg2[%add3A_30] : memref<640000xi32, #tpu.memory_space<hbm>> -> memref<80xi32, #tpu.memory_space<hbm>>
      %dma_start3A_49 = tpu.memref_slice %arg2[%add3A_30] : memref<640000xi32, #tpu.memory_space<hbm>> -> memref<80xi32, #tpu.memory_space<hbm>>
      tpu.enqueue_dma source(%dma_start3A_49 : memref<80xi32, #tpu.memory_space<hbm>>) target(%arg12 : memref<80xi32, #tpu.memory_space<vmem>>) target_semaphore(%run_scoped3A : memref<!tpu.dma_semaphore, #tpu.memory_space<semaphore_mem>>)
      %dma_wait3A_50 = tpu.memref_slice %arg2[%add3A_30] : memref<640000xi32, #tpu.memory_space<hbm>> -> memref<80xi32, #tpu.memory_space<hbm>>
      %dma_wait3A_51 = tpu.memref_slice %arg2[%add3A_30] : memref<640000xi32, #tpu.memory_space<hbm>> -> memref<80xi32, #tpu.memory_space<hbm>>
      tpu.wait_dma2 semaphore(%run_scoped3A : memref<!tpu.dma_semaphore, #tpu.memory_space<semaphore_mem>>) src(%dma_wait3A_51 : memref<80xi32, #tpu.memory_space<hbm>>) dst(%arg12 : memref<80xi32, #tpu.memory_space<vmem>>)
      tpu.yield
    }) : () -> ()
    %dma_start3A_31 = arith.constant 0 : i32
    %dma_start3A_32 = arith.constant 0 : i32
    %dma_start3A_33 = tpu.memref_slice %arg5[%dma_start3A_31, %dma_start3A_32] : memref<10240x128xf32, #tpu.memory_space<vmem_shared>> -> memref<10240x128xf32, #tpu.memory_space<vmem_shared>>
    tpu.enqueue_indirect_dma source(%arg13 : memref<80x128xf32, #tpu.memory_space<vmem>>) target(%dma_start3A_33 : memref<10240x128xf32, #tpu.memory_space<vmem_shared>>) offsets(%arg12 : memref<80xi32, #tpu.memory_space<vmem>>) semaphore(%arg15 : memref<!tpu.dma_semaphore, #tpu.memory_space<semaphore_mem>>) {add = true}
    %dma_wait3A_34 = arith.constant 0 : i32
    %dma_wait3A_35 = arith.constant 0 : i32
    %dma_wait3A_36 = tpu.memref_slice %arg5[%dma_wait3A_34, %dma_wait3A_35] : memref<10240x128xf32, #tpu.memory_space<vmem_shared>> -> memref<10240x128xf32, #tpu.memory_space<vmem_shared>>
    tpu.wait_indirect_dma semaphore(%arg10 : memref<!tpu.dma_semaphore, #tpu.memory_space<semaphore_mem>>) src(%arg8 : memref<80x128xf32, #tpu.memory_space<vmem>>) dst(%dma_wait3A_36 : memref<10240x128xf32, #tpu.memory_space<vmem_shared>>)
    %dma_wait3A_37 = arith.constant 0 : i32
    %dma_wait3A_38 = arith.constant 0 : i32
    %dma_wait3A_39 = tpu.memref_slice %arg5[%dma_wait3A_37, %dma_wait3A_38] : memref<10240x128xf32, #tpu.memory_space<vmem_shared>> -> memref<10240x128xf32, #tpu.memory_space<vmem_shared>>
    tpu.wait_indirect_dma semaphore(%arg15 : memref<!tpu.dma_semaphore, #tpu.memory_space<semaphore_mem>>) src(%arg13 : memref<80x128xf32, #tpu.memory_space<vmem>>) dst(%dma_wait3A_39 : memref<10240x128xf32, #tpu.memory_space<vmem_shared>>)
    %dma_wait3A_40 = arith.constant 0 : i32
    %dma_wait3A_41 = arith.constant 0 : i32
    %dma_wait3A_42 = tpu.memref_slice %arg5[%dma_wait3A_40, %dma_wait3A_41] : memref<10240x128xf32, #tpu.memory_space<vmem_shared>> -> memref<10240x128xf32, #tpu.memory_space<vmem_shared>>
    tpu.wait_indirect_dma semaphore(%arg20 : memref<!tpu.dma_semaphore, #tpu.memory_space<semaphore_mem>>) src(%arg18 : memref<80x128xf32, #tpu.memory_space<vmem>>) dst(%dma_wait3A_42 : memref<10240x128xf32, #tpu.memory_space<vmem_shared>>)
    %barrier3A_43 = arith.constant 0 : index
    tpu.barrier barrier_id(%barrier3A_43)
    %mul3A_44 = arith.constant 640 : i32
    %mul3A_45 = arith.muli %arg1, %mul3A_44 : i32
    %mul3A_46 = arith.constant 640 : i32
    %mul3A_47 = arith.muli %arg1, %mul3A_46 : i32
    "tpu.region"() ({
      %run_scoped3A = tpu.sem_alloc : memref<!tpu.dma_semaphore, #tpu.memory_space<semaphore_mem>>
      %dma_start3A_48 = arith.constant 0 : i32
      %dma_start3A_49 = tpu.memref_slice %arg4[%arg0, %mul3A_47, %dma_start3A_48] : memref<2x10240x128xf32, #tpu.memory_space<hbm>> -> memref<1x640x128xf32, #tpu.memory_space<hbm>>
      %dma_start3A_50 = tpu.memref_squeeze %dma_start3A_49 : memref<1x640x128xf32, #tpu.memory_space<hbm>> -> memref<640x128xf32, #tpu.memory_space<hbm>>
      %dma_start3A_51 = arith.constant 0 : i32
      %dma_start3A_52 = tpu.memref_slice %arg5[%mul3A_45, %dma_start3A_51] : memref<10240x128xf32, #tpu.memory_space<vmem_shared>> -> memref<640x128xf32, #tpu.memory_space<vmem_shared>>
      tpu.enqueue_dma source(%dma_start3A_52 : memref<640x128xf32, #tpu.memory_space<vmem_shared>>) target(%dma_start3A_50 : memref<640x128xf32, #tpu.memory_space<hbm>>) target_semaphore(%run_scoped3A : memref<!tpu.dma_semaphore, #tpu.memory_space<semaphore_mem>>)
      %dma_wait3A_53 = arith.constant 0 : i32
      %dma_wait3A_54 = tpu.memref_slice %arg4[%arg0, %mul3A_47, %dma_wait3A_53] : memref<2x10240x128xf32, #tpu.memory_space<hbm>> -> memref<1x640x128xf32, #tpu.memory_space<hbm>>
      %dma_wait3A_55 = tpu.memref_squeeze %dma_wait3A_54 : memref<1x640x128xf32, #tpu.memory_space<hbm>> -> memref<640x128xf32, #tpu.memory_space<hbm>>
      %dma_wait3A_56 = arith.constant 0 : i32
      %dma_wait3A_57 = tpu.memref_slice %arg5[%mul3A_45, %dma_wait3A_56] : memref<10240x128xf32, #tpu.memory_space<vmem_shared>> -> memref<640x128xf32, #tpu.memory_space<vmem_shared>>
      tpu.wait_dma2 semaphore(%run_scoped3A : memref<!tpu.dma_semaphore, #tpu.memory_space<semaphore_mem>>) src(%dma_wait3A_57 : memref<640x128xf32, #tpu.memory_space<vmem_shared>>) dst(%dma_wait3A_55 : memref<640x128xf32, #tpu.memory_space<hbm>>)
      tpu.yield
    }) : () -> ()
    return
  }
}

module attributes {stable_mosaic.version = 14 : i64} {
  func.func @_dense_body(%arg0: i32, %arg1: memref<1280x128xf32, #tpu.memory_space<vmem>>, %arg2: memref<1280x128xf32, #tpu.memory_space<vmem>>, %arg3: memref<1280x1xi32, #tpu.memory_space<vmem>>, %arg4: memref<1280x1xf32, #tpu.memory_space<vmem>>, %arg5: memref<128x128xf32, #tpu.memory_space<vmem>>, %arg6: memref<1x128xf32, #tpu.memory_space<vmem>>, %arg7: memref<128x128xf32, #tpu.memory_space<vmem>>, %arg8: memref<1280x128xf32, #tpu.memory_space<vmem>>) attributes {dimension_semantics = [#tpu.dimension_semantics<arbitrary>], iteration_bounds = array<i64: 8>, scalar_prefetch = 0 : i64, scratch_operands = 0 : i64, tpu.core_type = #tpu.core_type<tc>, window_params = [{transform_indices = @transform_0, window_bounds = array<i64: 1280, 128>}, {transform_indices = @transform_1, window_bounds = array<i64: 1280, 128>}, {transform_indices = @transform_2, window_bounds = array<i64: 1280, 1>}, {transform_indices = @transform_3, window_bounds = array<i64: 1280, 1>}, {pipeline_mode = #tpu.pipeline_mode<synchronous>, transform_indices = @transform_4, window_bounds = array<i64: 128, 128>}, {pipeline_mode = #tpu.pipeline_mode<synchronous>, transform_indices = @transform_5, window_bounds = array<i64: 1, 128>}, {pipeline_mode = #tpu.pipeline_mode<synchronous>, transform_indices = @transform_6, window_bounds = array<i64: 128, 128>}, {transform_indices = @transform_7, window_bounds = array<i64: 1280, 128>}]} {
    %get3A = arith.constant 0 : index
    %get3A_0 = arith.constant 0 : index
    %get3A_1 = vector.load %arg1[%get3A, %get3A_0] : memref<1280x128xf32, #tpu.memory_space<vmem>>, vector<1280x128xf32>
    %get3A_2 = arith.constant 0 : index
    %get3A_3 = arith.constant 0 : index
    %get3A_4 = vector.load %arg2[%get3A_2, %get3A_3] : memref<1280x128xf32, #tpu.memory_space<vmem>>, vector<1280x128xf32>
    %add3A = arith.addf %get3A_1, %get3A_4 : vector<1280x128xf32>
    %get3A_5 = arith.constant 0 : index
    %get3A_6 = arith.constant 0 : index
    %get3A_7 = vector.load %arg4[%get3A_5, %get3A_6] : memref<1280x1xf32, #tpu.memory_space<vmem>>, vector<1280x1xf32>
    %get3A_8 = arith.constant 0 : index
    %get3A_9 = arith.constant 0 : index
    %get3A_10 = vector.load %arg3[%get3A_8, %get3A_9] : memref<1280x1xi32, #tpu.memory_space<vmem>>, vector<1280x1xi32>
    %iota3A = tpu.iota {dimensions = array<i32: 1>} : vector<1x128xi32>
    %eq3A = vector.broadcast %get3A_10 : vector<1280x1xi32> to vector<1280x128xi32>
    %eq3A_11 = vector.broadcast %iota3A : vector<1x128xi32> to vector<1280x128xi32>
    %eq3A_12 = arith.cmpi eq, %eq3A, %eq3A_11 : vector<1280x128xi32>
    %convert_element_type3A = arith.extui %eq3A_12 : vector<1280x128xi1> to vector<1280x128xi32>
    %convert_element_type3A_13 = arith.sitofp %convert_element_type3A : vector<1280x128xi32> to vector<1280x128xf32>
    %mul3A = arith.mulf %get3A_7, %get3A_7 : vector<1280x1xf32>
    %mul3A_14 = vector.broadcast %mul3A : vector<1280x1xf32> to vector<1280x128xf32>
    %mul3A_15 = arith.mulf %convert_element_type3A_13, %mul3A_14 : vector<1280x128xf32>
    %add3A_16 = arith.addf %add3A, %mul3A_15 : vector<1280x128xf32>
    %get3A_17 = arith.constant 0 : index
    %get3A_18 = arith.constant 0 : index
    %get3A_19 = vector.load %arg5[%get3A_17, %get3A_18] : memref<128x128xf32, #tpu.memory_space<vmem>>, vector<128x128xf32>
    %dot_general3A = arith.constant dense<0.000000e+00> : vector<1280x128xf32>
    %dot_general3A_20 = tpu.matmul %add3A_16, %get3A_19, %dot_general3A {dimension_numbers = #tpu.dot_dimension_numbers<[1], [0], [0], [1], [0, 0, 1, 1], [], []>, precision = #tpu.contract_precision<fp32>, transpose_lhs_hint = false} : vector<1280x128xf32>, vector<128x128xf32>, vector<1280x128xf32> -> vector<1280x128xf32>
    %get3A_21 = arith.constant 0 : index
    %get3A_22 = arith.constant 0 : index
    %get3A_23 = vector.load %arg6[%get3A_21, %get3A_22] : memref<1x128xf32, #tpu.memory_space<vmem>>, vector<1x128xf32>
    %add3A_24 = vector.broadcast %get3A_23 : vector<1x128xf32> to vector<1280x128xf32>
    %add3A_25 = arith.addf %dot_general3A_20, %add3A_24 : vector<1280x128xf32>
    %max3A = arith.constant 0.000000e+00 : f32
    %max3A_26 = vector.broadcast %max3A : f32 to vector<1280x128xf32>
    %max3A_27 = arith.maximumf %add3A_25, %max3A_26 : vector<1280x128xf32>
    %get3A_28 = arith.constant 0 : index
    %get3A_29 = arith.constant 0 : index
    %get3A_30 = vector.load %arg7[%get3A_28, %get3A_29] : memref<128x128xf32, #tpu.memory_space<vmem>>, vector<128x128xf32>
    %dot_general3A_31 = arith.constant dense<0.000000e+00> : vector<1280x128xf32>
    %dot_general3A_32 = tpu.matmul %max3A_27, %get3A_30, %dot_general3A_31 {dimension_numbers = #tpu.dot_dimension_numbers<[1], [0], [0], [1], [0, 0, 1, 1], [], []>, precision = #tpu.contract_precision<fp32>, transpose_lhs_hint = false} : vector<1280x128xf32>, vector<128x128xf32>, vector<1280x128xf32> -> vector<1280x128xf32>
    %mul3A_33 = vector.broadcast %get3A_7 : vector<1280x1xf32> to vector<1280x128xf32>
    %mul3A_34 = arith.mulf %dot_general3A_32, %mul3A_33 : vector<1280x128xf32>
    %swap3A = arith.constant 0 : index
    %swap3A_35 = arith.constant 0 : index
    %swap3A_36 = vector.load %arg8[%swap3A, %swap3A_35] : memref<1280x128xf32, #tpu.memory_space<vmem>>, vector<1280x128xf32>
    tpu.vector_store %arg8[%swap3A, %swap3A_35], %mul3A_34 {strides = array<i32>} : memref<1280x128xf32, #tpu.memory_space<vmem>>, vector<1280x128xf32>,
    return
  }
  func.func @transform_0(%arg0: i32) -> (i32, i32) {
    %c0_i32 = arith.constant 0 : i32
    %c0_i32_0 = arith.constant 0 : i32
    return %arg0, %c0_i32 : i32, i32
  }
  func.func @transform_1(%arg0: i32) -> (i32, i32) {
    %c0_i32 = arith.constant 0 : i32
    %c0_i32_0 = arith.constant 0 : i32
    return %arg0, %c0_i32 : i32, i32
  }
  func.func @transform_2(%arg0: i32) -> (i32, i32) {
    %c0_i32 = arith.constant 0 : i32
    %c0_i32_0 = arith.constant 0 : i32
    return %arg0, %c0_i32 : i32, i32
  }
  func.func @transform_3(%arg0: i32) -> (i32, i32) {
    %c0_i32 = arith.constant 0 : i32
    %c0_i32_0 = arith.constant 0 : i32
    return %arg0, %c0_i32 : i32, i32
  }
  func.func @transform_4(%arg0: i32) -> (i32, i32) {
    %c0_i32 = arith.constant 0 : i32
    %c0_i32_0 = arith.constant 0 : i32
    %c0_i32_1 = arith.constant 0 : i32
    return %c0_i32, %c0_i32_0 : i32, i32
  }
  func.func @transform_5(%arg0: i32) -> (i32, i32) {
    %c0_i32 = arith.constant 0 : i32
    %c0_i32_0 = arith.constant 0 : i32
    %c0_i32_1 = arith.constant 0 : i32
    return %c0_i32, %c0_i32_0 : i32, i32
  }
  func.func @transform_6(%arg0: i32) -> (i32, i32) {
    %c0_i32 = arith.constant 0 : i32
    %c0_i32_0 = arith.constant 0 : i32
    %c0_i32_1 = arith.constant 0 : i32
    return %c0_i32, %c0_i32_0 : i32, i32
  }
  func.func @transform_7(%arg0: i32) -> (i32, i32) {
    %c0_i32 = arith.constant 0 : i32
    %c0_i32_0 = arith.constant 0 : i32
    return %arg0, %c0_i32 : i32, i32
  }
}

module attributes {stable_mosaic.version = 14 : i64} {
  func.func @_h2_body(%arg0: i32, %arg1: memref<2x1280x128xf32, #tpu.memory_space<vmem>>, %arg2: memref<1280x128xf32, #tpu.memory_space<vmem>>, %arg3: memref<1280x1xf32, #tpu.memory_space<vmem>>, %arg4: memref<1x128xf32, #tpu.memory_space<vmem>>, %arg5: memref<128x1xf32, #tpu.memory_space<vmem>>, %arg6: memref<1280x128xf32, #tpu.memory_space<vmem>>, %arg7: memref<1280x1xf32, #tpu.memory_space<vmem>>) attributes {dimension_semantics = [#tpu.dimension_semantics<arbitrary>], iteration_bounds = array<i64: 8>, scalar_prefetch = 0 : i64, scratch_operands = 0 : i64, tpu.core_type = #tpu.core_type<tc>, window_params = [{transform_indices = @transform_0, window_bounds = array<i64: 2, 1280, 128>}, {transform_indices = @transform_1, window_bounds = array<i64: 1280, 128>}, {transform_indices = @transform_2, window_bounds = array<i64: 1280, 1>}, {pipeline_mode = #tpu.pipeline_mode<synchronous>, transform_indices = @transform_3, window_bounds = array<i64: 1, 128>}, {pipeline_mode = #tpu.pipeline_mode<synchronous>, transform_indices = @transform_4, window_bounds = array<i64: 128, 1>}, {transform_indices = @transform_5, window_bounds = array<i64: 1280, 128>}, {transform_indices = @transform_6, window_bounds = array<i64: 1280, 1>}]} {
    %get3A = arith.constant 0 : index
    %get3A_0 = arith.constant 0 : index
    %get3A_1 = arith.constant 0 : index
    %get3A_2 = vector.load %arg1[%get3A, %get3A_0, %get3A_1] : memref<2x1280x128xf32, #tpu.memory_space<vmem>>, vector<1x1280x128xf32>
    %get3A_3 = vector.shape_cast %get3A_2 : vector<1x1280x128xf32> to vector<1280x128xf32>
    %get3A_4 = arith.constant 1 : index
    %get3A_5 = arith.constant 0 : index
    %get3A_6 = arith.constant 0 : index
    %get3A_7 = vector.load %arg1[%get3A_4, %get3A_5, %get3A_6] : memref<2x1280x128xf32, #tpu.memory_space<vmem>>, vector<1x1280x128xf32>
    %get3A_8 = vector.shape_cast %get3A_7 : vector<1x1280x128xf32> to vector<1280x128xf32>
    %add3A = arith.addf %get3A_3, %get3A_8 : vector<1280x128xf32>
    %get3A_9 = arith.constant 0 : index
    %get3A_10 = arith.constant 0 : index
    %get3A_11 = vector.load %arg2[%get3A_9, %get3A_10] : memref<1280x128xf32, #tpu.memory_space<vmem>>, vector<1280x128xf32>
    %add3A_12 = arith.addf %add3A, %get3A_11 : vector<1280x128xf32>
    %get3A_13 = arith.constant 0 : index
    %get3A_14 = arith.constant 0 : index
    %get3A_15 = vector.load %arg3[%get3A_13, %get3A_14] : memref<1280x1xf32, #tpu.memory_space<vmem>>, vector<1280x1xf32>
    %mul3A = vector.broadcast %get3A_15 : vector<1280x1xf32> to vector<1280x128xf32>
    %mul3A_16 = arith.mulf %mul3A, %add3A_12 : vector<1280x128xf32>
    %get3A_17 = arith.constant 0 : index
    %get3A_18 = arith.constant 0 : index
    %get3A_19 = vector.load %arg4[%get3A_17, %get3A_18] : memref<1x128xf32, #tpu.memory_space<vmem>>, vector<1x128xf32>
    %add3A_20 = vector.broadcast %get3A_19 : vector<1x128xf32> to vector<1280x128xf32>
    %add3A_21 = arith.addf %mul3A_16, %add3A_20 : vector<1280x128xf32>
    %max3A = arith.constant 0.000000e+00 : f32
    %max3A_22 = vector.broadcast %max3A : f32 to vector<1280x128xf32>
    %max3A_23 = arith.maximumf %add3A_21, %max3A_22 : vector<1280x128xf32>
    %swap3A = arith.constant 0 : index
    %swap3A_24 = arith.constant 0 : index
    %swap3A_25 = vector.load %arg6[%swap3A, %swap3A_24] : memref<1280x128xf32, #tpu.memory_space<vmem>>, vector<1280x128xf32>
    tpu.vector_store %arg6[%swap3A, %swap3A_24], %max3A_23 {strides = array<i32>} : memref<1280x128xf32, #tpu.memory_space<vmem>>, vector<1280x128xf32>,
    %get3A_26 = arith.constant 0 : index
    %get3A_27 = arith.constant 0 : index
    %get3A_28 = vector.load %arg5[%get3A_26, %get3A_27] : memref<128x1xf32, #tpu.memory_space<vmem>>, vector<128x1xf32>
    %mul3A_29 = arith.mulf %get3A_28, %get3A_28 : vector<128x1xf32>
    %reduce_sum3A = vector.shape_cast %mul3A_29 : vector<128x1xf32> to vector<1x128x1xf32>
    %reduce_sum3A_30 = arith.constant dense<0.000000e+00> : vector<1xf32>
    %reduce_sum3A_31 = vector.multi_reduction <add>, %reduce_sum3A, %reduce_sum3A_30 [1, 2] : vector<1x128x1xf32> to vector<1xf32>
    %reduce_sum3A_32 = vector.shape_cast %reduce_sum3A_31 : vector<1xf32> to vector<1x1x1xf32>
    %reduce_sum3A_33 = vector.extract %reduce_sum3A_32[0, 0, 0] : f32 from vector<1x1x1xf32>
    %rsqrt3A = math.rsqrt %reduce_sum3A_33 : f32
    %dot_general3A = arith.constant dense<0.000000e+00> : vector<1280x1xf32>
    %dot_general3A_34 = tpu.matmul %max3A_23, %get3A_28, %dot_general3A {dimension_numbers = #tpu.dot_dimension_numbers<[1], [0], [0], [1], [0, 0, 1, 1], [], []>, precision = #tpu.contract_precision<fp32>, transpose_lhs_hint = false} : vector<1280x128xf32>, vector<128x1xf32>, vector<1280x1xf32> -> vector<1280x1xf32>
    %mul3A_35 = vector.broadcast %rsqrt3A : f32 to vector<1280x1xf32>
    %mul3A_36 = arith.mulf %dot_general3A_34, %mul3A_35 : vector<1280x1xf32>
    %swap3A_37 = arith.constant 0 : index
    %swap3A_38 = arith.constant 0 : index
    %swap3A_39 = vector.load %arg7[%swap3A_37, %swap3A_38] : memref<1280x1xf32, #tpu.memory_space<vmem>>, vector<1280x1xf32>
    tpu.vector_store %arg7[%swap3A_37, %swap3A_38], %mul3A_36 {strides = array<i32>} : memref<1280x1xf32, #tpu.memory_space<vmem>>, vector<1280x1xf32>,
    return
  }
  func.func @transform_0(%arg0: i32) -> (i32, i32, i32) {
    %c0_i32 = arith.constant 0 : i32
    %c0_i32_0 = arith.constant 0 : i32
    %c0_i32_1 = arith.constant 0 : i32
    return %c0_i32, %arg0, %c0_i32_0 : i32, i32, i32
  }
  func.func @transform_1(%arg0: i32) -> (i32, i32) {
    %c0_i32 = arith.constant 0 : i32
    %c0_i32_0 = arith.constant 0 : i32
    return %arg0, %c0_i32 : i32, i32
  }
  func.func @transform_2(%arg0: i32) -> (i32, i32) {
    %c0_i32 = arith.constant 0 : i32
    %c0_i32_0 = arith.constant 0 : i32
    return %arg0, %c0_i32 : i32, i32
  }
  func.func @transform_3(%arg0: i32) -> (i32, i32) {
    %c0_i32 = arith.constant 0 : i32
    %c0_i32_0 = arith.constant 0 : i32
    %c0_i32_1 = arith.constant 0 : i32
    return %c0_i32, %c0_i32_0 : i32, i32
  }
  func.func @transform_4(%arg0: i32) -> (i32, i32) {
    %c0_i32 = arith.constant 0 : i32
    %c0_i32_0 = arith.constant 0 : i32
    %c0_i32_1 = arith.constant 0 : i32
    return %c0_i32, %c0_i32_0 : i32, i32
  }
  func.func @transform_5(%arg0: i32) -> (i32, i32) {
    %c0_i32 = arith.constant 0 : i32
    %c0_i32_0 = arith.constant 0 : i32
    return %arg0, %c0_i32 : i32, i32
  }
  func.func @transform_6(%arg0: i32) -> (i32, i32) {
    %c0_i32 = arith.constant 0 : i32
    %c0_i32_0 = arith.constant 0 : i32
    return %arg0, %c0_i32 : i32, i32
  }
}

module attributes {stable_mosaic.version = 14 : i64} {
  func.func @_pool_body(%arg0: memref<1x10240xf32, #tpu.memory_space<vmem>>, %arg1: memref<1x10240xi32, #tpu.memory_space<vmem>>, %arg2: memref<10240x128xf32, #tpu.memory_space<vmem>>, %arg3: memref<64x128xf32, #tpu.memory_space<vmem>>) attributes {dimension_semantics = [], scalar_prefetch = 0 : i64, scratch_operands = 0 : i64, tpu.core_type = #tpu.core_type<tc>} {
    %get3A = arith.constant 0 : index
    %get3A_0 = arith.constant 0 : index
    %get3A_1 = vector.load %arg0[%get3A, %get3A_0] : memref<1x10240xf32, #tpu.memory_space<vmem>>, vector<1x10240xf32>
    %get3A_2 = arith.constant 0 : index
    %get3A_3 = arith.constant 0 : index
    %get3A_4 = vector.load %arg1[%get3A_2, %get3A_3] : memref<1x10240xi32, #tpu.memory_space<vmem>>, vector<1x10240xi32>
    %iota3A = tpu.iota {dimensions = array<i32: 0>} : vector<64x1xi32>
    %eq3A = vector.broadcast %get3A_4 : vector<1x10240xi32> to vector<64x10240xi32>
    %eq3A_5 = vector.broadcast %iota3A : vector<64x1xi32> to vector<64x10240xi32>
    %eq3A_6 = arith.cmpi eq, %eq3A, %eq3A_5 : vector<64x10240xi32>
    %convert_element_type3A = arith.extui %eq3A_6 : vector<64x10240xi1> to vector<64x10240xi32>
    %reduce_sum3A = arith.constant dense<0> : vector<64xi32>
    %reduce_sum3A_7 = vector.multi_reduction <add>, %convert_element_type3A, %reduce_sum3A [1] : vector<64x10240xi32> to vector<64xi32>
    %broadcast_in_dim3A = vector.shape_cast %reduce_sum3A_7 : vector<64xi32> to vector<64x1xi32>
    %add3A = arith.constant 1 : i32
    %add3A_8 = vector.broadcast %add3A : i32 to vector<64x1xi32>
    %add3A_9 = arith.addi %broadcast_in_dim3A, %add3A_8 : vector<64x1xi32>
    %jit3A = arith.constant 2 : i32
    %div3A = vector.broadcast %jit3A : i32 to vector<64x1xi32>
    %div3A_10 = arith.divsi %add3A_9, %div3A : vector<64x1xi32>
    %sign3A = arith.constant 0 : i32
    %sign3A_11 = vector.broadcast %sign3A : i32 to vector<64x1xi32>
    %sign3A_12 = arith.cmpi sgt, %add3A_9, %sign3A_11 : vector<64x1xi32>
    %sign3A_13 = arith.extui %sign3A_12 : vector<64x1xi1> to vector<64x1xi32>
    %sign3A_14 = arith.constant 0 : i32
    %sign3A_15 = vector.broadcast %sign3A_14 : i32 to vector<64x1xi32>
    %sign3A_16 = arith.cmpi slt, %add3A_9, %sign3A_15 : vector<64x1xi32>
    %sign3A_17 = arith.extui %sign3A_16 : vector<64x1xi1> to vector<64x1xi32>
    %sign3A_18 = arith.subi %sign3A_13, %sign3A_17 : vector<64x1xi32>
    %sign3A_19 = arith.constant 0 : i32
    %sign3A_20 = arith.cmpi sgt, %jit3A, %sign3A_19 : i32
    %sign3A_21 = arith.extui %sign3A_20 : i1 to i32
    %sign3A_22 = arith.constant 0 : i32
    %sign3A_23 = arith.cmpi slt, %jit3A, %sign3A_22 : i32
    %sign3A_24 = arith.extui %sign3A_23 : i1 to i32
    %sign3A_25 = arith.subi %sign3A_21, %sign3A_24 : i32
    %ne3A = vector.broadcast %sign3A_25 : i32 to vector<64x1xi32>
    %ne3A_26 = arith.cmpi ne, %sign3A_18, %ne3A : vector<64x1xi32>
    %rem3A = vector.broadcast %jit3A : i32 to vector<64x1xi32>
    %rem3A_27 = arith.remsi %add3A_9, %rem3A : vector<64x1xi32>
    %ne3A_28 = arith.constant 0 : i32
    %ne3A_29 = vector.broadcast %ne3A_28 : i32 to vector<64x1xi32>
    %ne3A_30 = arith.cmpi ne, %rem3A_27, %ne3A_29 : vector<64x1xi32>
    %and3A = arith.andi %ne3A_26, %ne3A_30 : vector<64x1xi1>
    %sub3A = arith.constant 1 : i32
    %sub3A_31 = vector.broadcast %sub3A : i32 to vector<64x1xi32>
    %sub3A_32 = arith.subi %div3A_10, %sub3A_31 : vector<64x1xi32>
    %select_n3A = arith.select %and3A, %sub3A_32, %div3A_10 : vector<64x1xi1>, vector<64x1xi32>
    %convert_element_type3A_33 = arith.sitofp %select_n3A : vector<64x1xi32> to vector<64x1xf32>
    %max3A = arith.constant 1.000000e+00 : f32
    %max3A_34 = vector.broadcast %max3A : f32 to vector<64x1xf32>
    %max3A_35 = arith.maximumf %convert_element_type3A_33, %max3A_34 : vector<64x1xf32>
    %div3A_36 = arith.constant 1.000000e+00 : f32
    %div3A_37 = vector.broadcast %div3A_36 : f32 to vector<64x1xf32>
    %div3A_38 = arith.divf %div3A_37, %max3A_35 : vector<64x1xf32>
    %bitcast_convert_type3A = tpu.bitcast %get3A_1 : vector<1x10240xf32> -> vector<1x10240xi32>
    %lt3A = arith.constant 0.000000e+00 : f32
    %lt3A_39 = vector.broadcast %lt3A : f32 to vector<1x10240xf32>
    %lt3A_40 = arith.cmpf olt, %get3A_1, %lt3A_39 : vector<1x10240xf32>
    %not3A = arith.constant dense<-1> : vector<1x10240xi32>
    %not3A_41 = arith.xori %bitcast_convert_type3A, %not3A : vector<1x10240xi32>
    %or3A = arith.constant -2147483648 : i32
    %or3A_42 = vector.broadcast %or3A : i32 to vector<1x10240xi32>
    %or3A_43 = arith.ori %bitcast_convert_type3A, %or3A_42 : vector<1x10240xi32>
    %select_n3A_44 = arith.select %lt3A_40, %not3A_41, %or3A_43 : vector<1x10240xi1>, vector<1x10240xi32>
    %sub3A_45 = arith.constant 64 : i32
    %sub3A_46 = vector.broadcast %sub3A_45 : i32 to vector<1x10240xi32>
    %sub3A_47 = arith.subi %sub3A_46, %get3A_4 : vector<1x10240xi32>
    %and3A_48 = arith.constant 127 : i32
    %and3A_49 = vector.broadcast %and3A_48 : i32 to vector<1x10240xi32>
    %and3A_50 = arith.andi %sub3A_47, %and3A_49 : vector<1x10240xi32>
    %shift_left3A = arith.constant 25 : i32
    %shift_left3A_51 = vector.broadcast %shift_left3A : i32 to vector<1x10240xi32>
    %shift_left3A_52 = arith.shli %and3A_50, %shift_left3A_51 : vector<1x10240xi32>
    %shift_right_logical3A = arith.constant 7 : i32
    %shift_right_logical3A_53 = vector.broadcast %shift_right_logical3A : i32 to vector<1x10240xi32>
    %shift_right_logical3A_54 = arith.shrui %select_n3A_44, %shift_right_logical3A_53 : vector<1x10240xi32>
    %or3A_55 = arith.ori %shift_left3A_52, %shift_right_logical3A_54 : vector<1x10240xi32>
    %and3A_56 = arith.constant 127 : i32
    %and3A_57 = vector.broadcast %and3A_56 : i32 to vector<1x10240xi32>
    %and3A_58 = arith.andi %select_n3A_44, %and3A_57 : vector<1x10240xi32>
    %shift_left3A_59 = arith.constant 25 : i32
    %shift_left3A_60 = vector.broadcast %shift_left3A_59 : i32 to vector<1x10240xi32>
    %shift_left3A_61 = arith.shli %and3A_58, %shift_left3A_60 : vector<1x10240xi32>
    %iota3A_62 = tpu.iota {dimensions = array<i32: 1>} : vector<1x10240xi32>
    %sub3A_63 = arith.constant 16383 : i32
    %sub3A_64 = vector.broadcast %sub3A_63 : i32 to vector<1x10240xi32>
    %sub3A_65 = arith.subi %sub3A_64, %iota3A_62 : vector<1x10240xi32>
    %shift_left3A_66 = arith.constant 11 : i32
    %shift_left3A_67 = vector.broadcast %shift_left3A_66 : i32 to vector<1x10240xi32>
    %shift_left3A_68 = arith.shli %sub3A_65, %shift_left3A_67 : vector<1x10240xi32>
    %or3A_69 = arith.ori %shift_left3A_61, %shift_left3A_68 : vector<1x10240xi32>
    %iota3A_70 = tpu.iota {dimensions = array<i32: 1>} : vector<64x64xi32>
    %iota3A_71 = tpu.iota {dimensions = array<i32: 0>} : vector<64x64xi32>
    %lt3A_72 = arith.cmpi slt, %iota3A_70, %iota3A_71 : vector<64x64xi32>
    %convert_element_type3A_73 = arith.extui %lt3A_72 : vector<64x64xi1> to vector<64x64xi32>
    %convert_element_type3A_74 = arith.sitofp %convert_element_type3A_73 : vector<64x64xi32> to vector<64x64xf32>
    %convert_element_type3A_75 = arith.sitofp %broadcast_in_dim3A : vector<64x1xi32> to vector<64x1xf32>
    %dot_general3A = arith.constant dense<0.000000e+00> : vector<64x1xf32>
    %dot_general3A_76 = tpu.matmul %convert_element_type3A_74, %convert_element_type3A_75, %dot_general3A {dimension_numbers = #tpu.dot_dimension_numbers<[1], [0], [0], [1], [0, 0, 1, 1], [], []>, precision = #tpu.contract_precision<fp32>, transpose_lhs_hint = false} : vector<64x64xf32>, vector<64x1xf32>, vector<64x1xf32> -> vector<64x1xf32>
    %add3A_77 = arith.constant 5.000000e-01 : f32
    %add3A_78 = vector.broadcast %add3A_77 : f32 to vector<64x1xf32>
    %add3A_79 = arith.addf %dot_general3A_76, %add3A_78 : vector<64x1xf32>
    %convert_element_type3A_80 = arith.fptosi %add3A_79 : vector<64x1xf32> to vector<64x1xi32>
    %add3A_81 = arith.addi %convert_element_type3A_80, %select_n3A : vector<64x1xi32>
    %broadcast_in_dim3A_82 = arith.constant 0 : i32
    %broadcast_in_dim3A_83 = vector.broadcast %broadcast_in_dim3A_82 : i32 to vector<64x1xi32>
    %scan3A = arith.constant 0 : i32
    %scan3A_84 = arith.constant 32 : i32
    %scan3A_85 = arith.addi %scan3A, %scan3A_84 : i32
    %scan3A_86 = arith.constant 1 : i32
    %scan3A_87:2 = scf.for %scan3A_164 = %scan3A to %scan3A_85 step %scan3A_86 iter_args(%scan3A_165 = %broadcast_in_dim3A_83, %scan3A_166 = %add3A_81) -> (vector<64x1xi32>, vector<64x1xi32>)  : i32 {
      %sub3A_167 = arith.constant 31 : i32
      %sub3A_168 = arith.subi %sub3A_167, %scan3A_164 : i32
      %shift_left3A_169 = arith.constant 2 : i32
      %shift_left3A_170 = arith.shli %shift_left3A_169, %sub3A_168 : i32
      %sub3A_171 = arith.constant 1 : i32
      %sub3A_172 = arith.subi %shift_left3A_170, %sub3A_171 : i32
      %ge3A_173 = vector.broadcast %or3A_55 : vector<1x10240xi32> to vector<64x10240xi32>
      %ge3A_174 = vector.broadcast %scan3A_165 : vector<64x1xi32> to vector<64x10240xi32>
      %ge3A_175 = arith.cmpi uge, %ge3A_173, %ge3A_174 : vector<64x10240xi32>
      %or3A_176 = vector.broadcast %sub3A_172 : i32 to vector<64x1xi32>
      %or3A_177 = arith.ori %scan3A_165, %or3A_176 : vector<64x1xi32>
      %le3A = vector.broadcast %or3A_55 : vector<1x10240xi32> to vector<64x10240xi32>
      %le3A_178 = vector.broadcast %or3A_177 : vector<64x1xi32> to vector<64x10240xi32>
      %le3A_179 = arith.cmpi ule, %le3A, %le3A_178 : vector<64x10240xi32>
      %and3A_180 = arith.andi %ge3A_175, %le3A_179 : vector<64x10240xi1>
      %shift_right_logical3A_181 = vector.broadcast %sub3A_168 : i32 to vector<1x10240xi32>
      %shift_right_logical3A_182 = arith.shrui %or3A_55, %shift_right_logical3A_181 : vector<1x10240xi32>
      %and3A_183 = arith.constant 1 : i32
      %and3A_184 = vector.broadcast %and3A_183 : i32 to vector<1x10240xi32>
      %and3A_185 = arith.andi %shift_right_logical3A_182, %and3A_184 : vector<1x10240xi32>
      %eq3A_186 = arith.constant 1 : i32
      %eq3A_187 = vector.broadcast %eq3A_186 : i32 to vector<1x10240xi32>
      %eq3A_188 = arith.cmpi eq, %and3A_185, %eq3A_187 : vector<1x10240xi32>
      %and3A_189 = vector.broadcast %eq3A_188 : vector<1x10240xi1> to vector<64x10240xi1>
      %and3A_190 = arith.andi %and3A_180, %and3A_189 : vector<64x10240xi1>
      %convert_element_type3A_191 = arith.extui %and3A_190 : vector<64x10240xi1> to vector<64x10240xi32>
      %reduce_sum3A_192 = arith.constant dense<0> : vector<64xi32>
      %reduce_sum3A_193 = vector.multi_reduction <add>, %convert_element_type3A_191, %reduce_sum3A_192 [1] : vector<64x10240xi32> to vector<64xi32>
      %broadcast_in_dim3A_194 = vector.shape_cast %reduce_sum3A_193 : vector<64xi32> to vector<64x1xi32>
      %ge3A_195 = arith.cmpi sge, %broadcast_in_dim3A_194, %scan3A_166 : vector<64x1xi32>
      %sub3A_196 = arith.subi %scan3A_166, %broadcast_in_dim3A_194 : vector<64x1xi32>
      %select_n3A_197 = arith.select %ge3A_195, %scan3A_166, %sub3A_196 : vector<64x1xi1>, vector<64x1xi32>
      %shift_left3A_198 = arith.constant 1 : i32
      %shift_left3A_199 = arith.shli %shift_left3A_198, %sub3A_168 : i32
      %jit3A_200 = arith.constant 0 : i32
      %broadcast_in_dim3A_201 = vector.broadcast %shift_left3A_199 : i32 to vector<64x1xi32>
      %broadcast_in_dim3A_202 = vector.broadcast %jit3A_200 : i32 to vector<64x1xi32>
      %select_n3A_203 = arith.select %ge3A_195, %broadcast_in_dim3A_201, %broadcast_in_dim3A_202 : vector<64x1xi1>, vector<64x1xi32>
      %or3A_204 = arith.ori %scan3A_165, %select_n3A_203 : vector<64x1xi32>
      scf.yield %or3A_204, %select_n3A_197 : vector<64x1xi32>, vector<64x1xi32>
    }
    %scan3A_88 = arith.constant 32 : i32
    %broadcast_in_dim3A_89 = arith.constant 0 : i32
    %broadcast_in_dim3A_90 = vector.broadcast %broadcast_in_dim3A_89 : i32 to vector<64x1xi32>
    %scan3A_91 = arith.constant 0 : i32
    %scan3A_92 = arith.constant 21 : i32
    %scan3A_93 = arith.addi %scan3A_91, %scan3A_92 : i32
    %scan3A_94 = arith.constant 1 : i32
    %scan3A_95:2 = scf.for %scan3A_164 = %scan3A_91 to %scan3A_93 step %scan3A_94 iter_args(%scan3A_165 = %broadcast_in_dim3A_90, %scan3A_166 = %scan3A_87#1) -> (vector<64x1xi32>, vector<64x1xi32>)  : i32 {
      %sub3A_167 = arith.constant 31 : i32
      %sub3A_168 = arith.subi %sub3A_167, %scan3A_164 : i32
      %shift_left3A_169 = arith.constant 2 : i32
      %shift_left3A_170 = arith.shli %shift_left3A_169, %sub3A_168 : i32
      %sub3A_171 = arith.constant 1 : i32
      %sub3A_172 = arith.subi %shift_left3A_170, %sub3A_171 : i32
      %ge3A_173 = vector.broadcast %or3A_69 : vector<1x10240xi32> to vector<64x10240xi32>
      %ge3A_174 = vector.broadcast %scan3A_165 : vector<64x1xi32> to vector<64x10240xi32>
      %ge3A_175 = arith.cmpi uge, %ge3A_173, %ge3A_174 : vector<64x10240xi32>
      %or3A_176 = vector.broadcast %sub3A_172 : i32 to vector<64x1xi32>
      %or3A_177 = arith.ori %scan3A_165, %or3A_176 : vector<64x1xi32>
      %le3A = vector.broadcast %or3A_69 : vector<1x10240xi32> to vector<64x10240xi32>
      %le3A_178 = vector.broadcast %or3A_177 : vector<64x1xi32> to vector<64x10240xi32>
      %le3A_179 = arith.cmpi ule, %le3A, %le3A_178 : vector<64x10240xi32>
      %and3A_180 = arith.andi %ge3A_175, %le3A_179 : vector<64x10240xi1>
      %eq3A_181 = vector.broadcast %or3A_55 : vector<1x10240xi32> to vector<64x10240xi32>
      %eq3A_182 = vector.broadcast %scan3A_87#0 : vector<64x1xi32> to vector<64x10240xi32>
      %eq3A_183 = arith.cmpi eq, %eq3A_181, %eq3A_182 : vector<64x10240xi32>
      %and3A_184 = arith.andi %and3A_180, %eq3A_183 : vector<64x10240xi1>
      %shift_right_logical3A_185 = vector.broadcast %sub3A_168 : i32 to vector<1x10240xi32>
      %shift_right_logical3A_186 = arith.shrui %or3A_69, %shift_right_logical3A_185 : vector<1x10240xi32>
      %and3A_187 = arith.constant 1 : i32
      %and3A_188 = vector.broadcast %and3A_187 : i32 to vector<1x10240xi32>
      %and3A_189 = arith.andi %shift_right_logical3A_186, %and3A_188 : vector<1x10240xi32>
      %eq3A_190 = arith.constant 1 : i32
      %eq3A_191 = vector.broadcast %eq3A_190 : i32 to vector<1x10240xi32>
      %eq3A_192 = arith.cmpi eq, %and3A_189, %eq3A_191 : vector<1x10240xi32>
      %and3A_193 = vector.broadcast %eq3A_192 : vector<1x10240xi1> to vector<64x10240xi1>
      %and3A_194 = arith.andi %and3A_184, %and3A_193 : vector<64x10240xi1>
      %convert_element_type3A_195 = arith.extui %and3A_194 : vector<64x10240xi1> to vector<64x10240xi32>
      %reduce_sum3A_196 = arith.constant dense<0> : vector<64xi32>
      %reduce_sum3A_197 = vector.multi_reduction <add>, %convert_element_type3A_195, %reduce_sum3A_196 [1] : vector<64x10240xi32> to vector<64xi32>
      %broadcast_in_dim3A_198 = vector.shape_cast %reduce_sum3A_197 : vector<64xi32> to vector<64x1xi32>
      %ge3A_199 = arith.cmpi sge, %broadcast_in_dim3A_198, %scan3A_166 : vector<64x1xi32>
      %sub3A_200 = arith.subi %scan3A_166, %broadcast_in_dim3A_198 : vector<64x1xi32>
      %select_n3A_201 = arith.select %ge3A_199, %scan3A_166, %sub3A_200 : vector<64x1xi1>, vector<64x1xi32>
      %shift_left3A_202 = arith.constant 1 : i32
      %shift_left3A_203 = arith.shli %shift_left3A_202, %sub3A_168 : i32
      %jit3A_204 = arith.constant 0 : i32
      %broadcast_in_dim3A_205 = vector.broadcast %shift_left3A_203 : i32 to vector<64x1xi32>
      %broadcast_in_dim3A_206 = vector.broadcast %jit3A_204 : i32 to vector<64x1xi32>
      %select_n3A_207 = arith.select %ge3A_199, %broadcast_in_dim3A_205, %broadcast_in_dim3A_206 : vector<64x1xi1>, vector<64x1xi32>
      %or3A_208 = arith.ori %scan3A_165, %select_n3A_207 : vector<64x1xi32>
      scf.yield %or3A_208, %select_n3A_201 : vector<64x1xi32>, vector<64x1xi32>
    }
    %scan3A_96 = arith.constant 21 : i32
    %gt3A = vector.broadcast %or3A_55 : vector<1x10240xi32> to vector<64x10240xi32>
    %gt3A_97 = vector.broadcast %scan3A_87#0 : vector<64x1xi32> to vector<64x10240xi32>
    %gt3A_98 = arith.cmpi ugt, %gt3A, %gt3A_97 : vector<64x10240xi32>
    %eq3A_99 = vector.broadcast %or3A_55 : vector<1x10240xi32> to vector<64x10240xi32>
    %eq3A_100 = vector.broadcast %scan3A_87#0 : vector<64x1xi32> to vector<64x10240xi32>
    %eq3A_101 = arith.cmpi eq, %eq3A_99, %eq3A_100 : vector<64x10240xi32>
    %ge3A = vector.broadcast %or3A_69 : vector<1x10240xi32> to vector<64x10240xi32>
    %ge3A_102 = vector.broadcast %scan3A_95#0 : vector<64x1xi32> to vector<64x10240xi32>
    %ge3A_103 = arith.cmpi uge, %ge3A, %ge3A_102 : vector<64x10240xi32>
    %and3A_104 = arith.andi %eq3A_101, %ge3A_103 : vector<64x10240xi1>
    %or3A_105 = arith.ori %gt3A_98, %and3A_104 : vector<64x10240xi1>
    %and3A_106 = arith.andi %eq3A_6, %or3A_105 : vector<64x10240xi1>
    %abs3A = math.absf %get3A_1 : vector<1x10240xf32>
    %mul3A = arith.mulf %get3A_1, %get3A_1 : vector<1x10240xf32>
    %mul3A_107 = arith.constant -0.0539682545 : f32
    %mul3A_108 = vector.broadcast %mul3A_107 : f32 to vector<1x10240xf32>
    %mul3A_109 = arith.mulf %mul3A, %mul3A_108 : vector<1x10240xf32>
    %add3A_110 = arith.constant 0.13333334 : f32
    %add3A_111 = vector.broadcast %add3A_110 : f32 to vector<1x10240xf32>
    %add3A_112 = arith.addf %add3A_111, %mul3A_109 : vector<1x10240xf32>
    %mul3A_113 = arith.mulf %mul3A, %add3A_112 : vector<1x10240xf32>
    %add3A_114 = arith.constant -0.333333343 : f32
    %add3A_115 = vector.broadcast %add3A_114 : f32 to vector<1x10240xf32>
    %add3A_116 = arith.addf %add3A_115, %mul3A_113 : vector<1x10240xf32>
    %mul3A_117 = arith.mulf %mul3A, %add3A_116 : vector<1x10240xf32>
    %add3A_118 = arith.constant 1.000000e+00 : f32
    %add3A_119 = vector.broadcast %add3A_118 : f32 to vector<1x10240xf32>
    %add3A_120 = arith.addf %add3A_119, %mul3A_117 : vector<1x10240xf32>
    %mul3A_121 = arith.mulf %get3A_1, %add3A_120 : vector<1x10240xf32>
    %min3A = arith.constant 2.000000e+01 : f32
    %min3A_122 = vector.broadcast %min3A : f32 to vector<1x10240xf32>
    %min3A_123 = arith.minimumf %abs3A, %min3A_122 : vector<1x10240xf32>
    %mul3A_124 = arith.constant 2.000000e+00 : f32
    %mul3A_125 = vector.broadcast %mul3A_124 : f32 to vector<1x10240xf32>
    %mul3A_126 = arith.mulf %mul3A_125, %min3A_123 : vector<1x10240xf32>
    %exp3A = math.exp %mul3A_126 : vector<1x10240xf32>
    %lt3A_127 = arith.constant 0.000000e+00 : f32
    %lt3A_128 = vector.broadcast %lt3A_127 : f32 to vector<1x10240xf32>
    %lt3A_129 = arith.cmpf olt, %get3A_1, %lt3A_128 : vector<1x10240xf32>
    %sub3A_130 = arith.constant 1.000000e+00 : f32
    %sub3A_131 = vector.broadcast %sub3A_130 : f32 to vector<1x10240xf32>
    %sub3A_132 = arith.subf %exp3A, %sub3A_131 : vector<1x10240xf32>
    %neg3A = arith.constant 0.000000e+00 : f32
    %neg3A_133 = vector.broadcast %neg3A : f32 to vector<1x10240xf32>
    %neg3A_134 = arith.subf %neg3A_133, %sub3A_132 : vector<1x10240xf32>
    %add3A_135 = arith.constant 1.000000e+00 : f32
    %add3A_136 = vector.broadcast %add3A_135 : f32 to vector<1x10240xf32>
    %add3A_137 = arith.addf %exp3A, %add3A_136 : vector<1x10240xf32>
    %div3A_138 = arith.divf %neg3A_134, %add3A_137 : vector<1x10240xf32>
    %sub3A_139 = arith.constant 1.000000e+00 : f32
    %sub3A_140 = vector.broadcast %sub3A_139 : f32 to vector<1x10240xf32>
    %sub3A_141 = arith.subf %exp3A, %sub3A_140 : vector<1x10240xf32>
    %add3A_142 = arith.constant 1.000000e+00 : f32
    %add3A_143 = vector.broadcast %add3A_142 : f32 to vector<1x10240xf32>
    %add3A_144 = arith.addf %exp3A, %add3A_143 : vector<1x10240xf32>
    %div3A_145 = arith.divf %sub3A_141, %add3A_144 : vector<1x10240xf32>
    %select_n3A_146 = arith.select %lt3A_129, %div3A_138, %div3A_145 : vector<1x10240xi1>, vector<1x10240xf32>
    %lt3A_147 = arith.constant 2.000000e-01 : f32
    %lt3A_148 = vector.broadcast %lt3A_147 : f32 to vector<1x10240xf32>
    %lt3A_149 = arith.cmpf olt, %abs3A, %lt3A_148 : vector<1x10240xf32>
    %select_n3A_150 = arith.select %lt3A_149, %mul3A_121, %select_n3A_146 : vector<1x10240xi1>, vector<1x10240xf32>
    %convert_element_type3A_151 = arith.extui %and3A_106 : vector<64x10240xi1> to vector<64x10240xi32>
    %convert_element_type3A_152 = arith.sitofp %convert_element_type3A_151 : vector<64x10240xi32> to vector<64x10240xf32>
    %mul3A_153 = vector.broadcast %div3A_38 : vector<64x1xf32> to vector<64x10240xf32>
    %mul3A_154 = arith.mulf %convert_element_type3A_152, %mul3A_153 : vector<64x10240xf32>
    %mul3A_155 = vector.broadcast %select_n3A_150 : vector<1x10240xf32> to vector<64x10240xf32>
    %mul3A_156 = arith.mulf %mul3A_154, %mul3A_155 : vector<64x10240xf32>
    %get3A_157 = arith.constant 0 : index
    %get3A_158 = arith.constant 0 : index
    %get3A_159 = vector.load %arg2[%get3A_157, %get3A_158] : memref<10240x128xf32, #tpu.memory_space<vmem>>, vector<10240x128xf32>
    %dot_general3A_160 = arith.constant dense<0.000000e+00> : vector<64x128xf32>
    %dot_general3A_161 = tpu.matmul %mul3A_156, %get3A_159, %dot_general3A_160 {dimension_numbers = #tpu.dot_dimension_numbers<[1], [0], [0], [1], [0, 0, 1, 1], [], []>, precision = #tpu.contract_precision<fp32>, transpose_lhs_hint = false} : vector<64x10240xf32>, vector<10240x128xf32>, vector<64x128xf32> -> vector<64x128xf32>
    %swap3A = arith.constant 0 : index
    %swap3A_162 = arith.constant 0 : index
    %swap3A_163 = vector.load %arg3[%swap3A, %swap3A_162] : memref<64x128xf32, #tpu.memory_space<vmem>>, vector<64x128xf32>
    tpu.vector_store %arg3[%swap3A, %swap3A_162], %dot_general3A_161 {strides = array<i32>} : memref<64x128xf32, #tpu.memory_space<vmem>>, vector<64x128xf32>,
    return
  }
}

</mosaic_0001>

<sc_bundles>
// kernel: kernel.10.cloned.1.call-start
scs
__scs_entry_jumppad:
0x0: {  	(pc) =	sbr.rel $0x88, $3  }
0x1: {  	(tag) =	ssettag $0x0;
	lr =	simm.s32 $0x1  }
0x2: {  	[smem:$0x3F99] =	sst lr;
	_ =	strace $0xD0000000  }
0x3: {  	_ = 	snop  }
0x4: {  	_ = 	snop  }
0x5: {  	_ = 	snop  }
0x6: {  	_ = 	snop  }
0x7: {  	_ = 	snop  }
__scs_overlays_trampoline_lowered:
0x8: {  	[smem:$0x3FA8] =	sst s0  }
0x9: {  	[smem:$0x3FA9] =	sst s1  }
0xa: {  	[smem:$0x3FAA] =	sst s2  }
0xb: {  	[smem:$0x3FAB] =	sst s3  }
0xc: {  	[smem:$0x3FAC] =	sst s4  }
0xd: {  	[smem:$0x3FAD] =	sst s5  }
0xe: {  	[smem:$0x3FAE] =	sst s6  }
0xf: {  	[smem:$0x3FAF] =	sst s7  }
0x10: {  	[smem:$0x3FB0] =	sst s8  }
0x11: {  	[smem:$0x3FB1] =	sst s9;
	s0 =	simm.s32 @!p0 $0x0  }
0x12: {  	s1 =	sld [smem:$0x3F97];
	s0 =	simm.s32 @p0 $0x1  }
0x13: {  	[smem:$0x3FB2] =	sst s0;
	s0 =	simm.s32 @!p1 $0x0  }
0x14: {  	s2 =	sld [smem:$0x3F96];
	s0 =	simm.s32 @p1 $0x1  }
0x15: {  	[smem:$0x3FB3] =	sst s0;
	s0 =	simm.s32 @!p2 $0x0  }
0x16: {  	s3 =	sld [smem:$0x3FDB];
	s0 =	simm.s32 @p2 $0x1  }
0x17: {  	s4 =	simm.s32 $0x1BF5;
	[smem:$0x3FB5] =	sst s0  }
0x18: {  	s0 =	sld [smem:$0x3F98];
	_ =	swait.ge [sflag:s4], $0x0  }
0x19: {  	s7 =	sld [smem:$0x3F99]  }
0x1a: {  	s8 =	sadd.s32 $0xFFFFE003, lr  }
0x1b: {  	s9 =	sadd.s32 $0xFFFFFEF7, lr;
	s5 =	simm.s32 $0xFFFFFFFF;
	p2 =	slt.u32 s8, $0xFFFFF086  }
0x1c: {  	p1 =	slt.u32 s9, $0xF7A;
	s5 =	simm.s32 @!p2 $0x0  }
0x1d: {  	s5 =	simm.s32 @p1 $0x1;
	p0 =	seq.s32 s7, s2  }
0x1e: {  	s7 =	smul.u32 @!p0 $0xF7A, s2;
	p2 =	seq.s32 @!p0 s5, $0x0  }
0x1f: {  	s9 =	smul.u32 $0xF7A, s1;
	s8 =	simm.s32 @!p0 $0x1BF5;
	p2 =	por !p2, p0  }
0x20: {  	[sflag:s8] =	ssyncset.s32 @!p0 $0xFFFFF086;
	s6 =	sadd.s32 @!p0 s3, s7;
	s7 =	simm.s32 @!p0 $0x108  }
0x21: {  	s3 =	sadd.s32 s3, s9;
	s6 =	sadd.s32 @!p0 $0x88, s6;
	s7 =	simm.s32 @p2 $0x1082  }
0x22: {  	[simem:s7], [sflag:s8] =	dma.local @!p0 [hbm:s6], $0xF7A  }
0x23: {  	s9 =	sor.u32 $0xD0000000, s2;
	s6 =	simm.s32 $0x108;
	_ =	swait.ge @!p0 [sflag:s8], $0x0  }
0x24: {  	s3 =	sadd.s32 $0x88, s3;
	s6 =	simm.s32 @!p1 $0x1082;
	[sflag:s4] =	ssyncset.s32 $0xFFFFF086  }
0x25: {  	[simem:s6], [sflag:s4] =	dma.local [hbm:s3], $0xF7A  }
0x26: {  	[smem:$0x3F99] =	sst s1;
	(tag) =	ssettag s2;
	_ =	strace s9  }
0x27: {  	s1 =	sld [smem:$0x3FA9]  }
0x28: {  	s2 =	sld [smem:$0x3FAA]  }
0x29: {  	s4 =	sld [smem:$0x3FAC]  }
0x2a: {  	p0 =	seq.s32 s5, $0x0;
	s5 =	sld [smem:$0x3FAD]  }
0x2b: {  	s6 =	sld [smem:$0x3FAE]  }
0x2c: {  	s7 =	sld [smem:$0x3FAF]  }
0x2d: {  	s3 =	simm.s32 $0x108;
	s8 =	sld [smem:$0x3FB0]  }
0x2e: {  	s3 =	simm.s32 @!p0 $0x1082;
	s9 =	sld [smem:$0x3FB1]  }
0x2f: {  	lr =	sadd.s32 s0, s3;
	s0 =	sld [smem:$0x3FA8]  }
0x30: {  	s3 =	sld [smem:$0x3FAB]  }
0x31: {  	[smem:$0x3FB4] =	sst s10  }
0x32: {  	s10 =	sld [smem:$0x3FB2];
	_ =	sdelay $0x3  }
0x33: {  	p0 =	seq.s32 s10, $0x1;
	s10 =	sld [smem:$0x3FB4];
	_ =	sdelay $0x3  }
0x34: {  	[smem:$0x3FB4] =	sst s10  }
0x35: {  	s10 =	sld [smem:$0x3FB3];
	_ =	sdelay $0x3  }
0x36: {  	p1 =	seq.s32 s10, $0x1;
	s10 =	sld [smem:$0x3FB4];
	_ =	sdelay $0x3  }
0x37: {  	[smem:$0x3FB4] =	sst s10  }
0x38: {  	s10 =	sld [smem:$0x3FB5]  }
0x39: {  	_ = 	snop;
	(pc) =	sbr.ind lr, $3  }
0x3a: {  	_ = 	snop  }
0x3b: {  	_ = 	snop  }
0x3c: {  	p2 =	seq.s32 s10, $0x1;
	s10 =	sld [smem:$0x3FB4]  }
0x3d: {  	_ =	shalt  }
0x3e: {  	_ =	shalt  }
0x3f: {  	_ =	shalt  }
0x40: {  	_ =	shalt  }
0x41: {  	_ =	shalt  }
0x42: {  	_ =	shalt  }
0x43: {  	_ =	shalt  }
0x44: {  	_ =	shalt  }
0x45: {  	_ =	shalt  }
0x46: {  	_ =	shalt  }
0x47: {  	_ =	shalt  }
0x48: {  	_ =	shalt  }
0x49: {  	_ =	shalt  }
0x4a: {  	_ =	shalt  }
0x4b: {  	_ =	shalt  }
0x4c: {  	_ =	shalt  }
0x4d: {  	_ =	shalt  }
0x4e: {  	_ =	shalt  }
0x4f: {  	_ =	shalt  }
0x50: {  	_ =	shalt  }
0x51: {  	_ =	shalt  }
0x52: {  	_ =	shalt  }
0x53: {  	_ =	shalt  }
0x54: {  	_ =	shalt  }
0x55: {  	_ =	shalt  }
0x56: {  	_ =	shalt  }
0x57: {  	_ =	shalt  }
0x58: {  	_ =	shalt  }
0x59: {  	_ =	shalt  }
0x5a: {  	_ =	shalt  }
0x5b: {  	_ =	shalt  }
0x5c: {  	_ =	shalt  }
0x5d: {  	_ =	shalt  }
0x5e: {  	_ =	shalt  }
0x5f: {  	_ =	shalt  }
0x60: {  	_ =	shalt  }
0x61: {  	_ =	shalt  }
0x62: {  	_ =	shalt  }
0x63: {  	_ =	shalt  }
0x64: {  	_ =	shalt  }
0x65: {  	_ =	shalt  }
0x66: {  	_ =	shalt  }
0x67: {  	_ =	shalt  }
0x68: {  	_ =	shalt  }
0x69: {  	_ =	shalt  }
0x6a: {  	_ =	shalt  }
0x6b: {  	_ =	shalt  }
0x6c: {  	_ =	shalt  }
0x6d: {  	_ =	shalt  }
0x6e: {  	_ =	shalt  }
0x6f: {  	_ =	shalt  }
0x70: {  	_ =	shalt  }
0x71: {  	_ =	shalt  }
0x72: {  	_ =	shalt  }
0x73: {  	_ =	shalt  }
0x74: {  	_ =	shalt  }
0x75: {  	_ =	shalt  }
0x76: {  	_ =	shalt  }
0x77: {  	_ =	shalt  }
0x78: {  	_ =	shalt  }
0x79: {  	_ =	shalt  }
0x7a: {  	_ =	shalt  }
0x7b: {  	_ =	shalt  }
0x7c: {  	_ =	shalt  }
0x7d: {  	_ =	shalt  }
0x7e: {  	_ =	shalt  }
0x7f: {  	_ =	shalt  }
0x80: {  	_ =	shalt  }
0x81: {  	_ =	shalt  }
0x82: {  	_ =	shalt  }
0x83: {  	_ =	shalt  }
0x84: {  	_ =	shalt  }
0x85: {  	_ =	shalt  }
0x86: {  	_ =	shalt  }
0x87: {  	_ =	shalt  }
.Lfunc_end0:
.L_simem_size_0:
called_computation.1_lowered:
.L_overlay_start_0:
0x88: {  	s2 =	sld [smem:$0x3FD9]  }
0x89: {  	s3 =	sld [smem:$0x3FFE];
	_ =	sdelay $0x1  }
0x8a: {  	s1 =	srdreg.scid  }
0x8b: {  	s0 =	sand.u32 $0x1, s1  }
0x8c: {  	s16 =	sshll.u32 s0, $0xA;
	s2 =	sadd.s32 s3, s2  }
0x8d: {  	s2 =	sadd.s32 s2, s16  }
0x8e: {  	[smem:$0x3FC0] =	sst s2  }
0x8f: {  	_ = 	snop  }
0x90: {  	(tm) =	ssettm $0x1  }
0x91: {  	s17 =	sld [smem:$0x3FFB];
	_ =	sdelay $0x3  }
0x92: {  	_ =	strace s17  }
0x93: {  	s2 =	sld [smem:$0x3FFC];
	_ =	sdelay $0x3  }
0x94: {  	_ =	strace s2  }
0x95: {  	s2 =	sld [smem:$0x3FFD];
	_ =	sdelay $0x3  }
0x96: {  	_ =	strace s2  }
0x97: {  	_ =	strace $0x8FFFFFFF  }
0x98: {  	s18 =	sld [smem:$0x3FDB];
	_ =	sdelay $0x1  }
0x99: {  	s19 =	simm.s32 $_scs_section_size  }
0x9a: {  	s4 =	simm.s32 $_size__tile_overlayer_lowered;
	s5 =	simm.s32 $_tile_overlayer_lowered  }
0x9b: {  	s22 =	simm.s32 $0x1BFF;
	s21 =	sshll.u32 s5, $0x1;
	s2 =	sadd.s32 s19, s18  }
0x9c: {  	s6 =	simm.s32 $0x0;
	s20 =	sshll.u32 s4, $0x1;
	s4 =	sadd.s32 s21, s2  }
0x9d: {  	[timem:s6], [sflag:s22] =	dma.local [hbm:s4], s20  }
0x9e: {  	_ =	swait.ge [sflag:s22], s20  }
0x9f: {  	s3 =	ssub.s32 $0x0, s20;
	[sflag:s22] =	ssyncset.done $0x0  }
0xa0: {  	[sflag:s22] =	ssyncadd.s32 s3;
	_ =	sdelay $0x1  }
0xa1: {  	s23 =	simm.s32 $0x1B8B  }
0xa2: {  	_ =	swait.ge [sflag:s23], $0x1  }
0xa3: {  	[sflag:s23] =	ssyncset.done $0x0  }
0xa4: {  	s25 =	simm.s32 $0x1B8E;
	s24 =	sld [smem:$0x3FFE];
	[sflag:s23] =	ssyncadd.s32 $0xFFFFFFFF  }
0xa5: {  	s26 =	simm.s32 $execute0_lowered;
	[smem:$0x3FD2] =	sst s25  }
0xa6: {  	s4 =	sshll.u32 s26, $0x1;
	_ =	strace $0x80000049;
	[dreg:$0x1] =	wrdreg $0xFFFFFFFF  }
0xa7: {  	s28 =	simm.s32 $_size_execute0_lowered;
	s2 =	sadd.s32 s2, s4;
	[dreg:$0x0] =	wrdreg $0x0  }
0xa8: {  	s4 =	sshll.u32 s28, $0x1;
	[dreg:$0x2] =	wrdreg s2  }
0xa9: {  	[dreg:$0x3] =	wrdreg s4  }
0xaa: {  	[dreg:$0x4] =	wrdreg $0xC0  }
0xab: {  	_ =	task [dreg:s6], $0x5FFFF  }
0xac: {  	[dreg:$0x1] =	wrdreg $0xFFFFFFFF  }
0xad: {  	[dreg:$0x0] =	wrdreg $0x60  }
0xae: {  	[dreg:$0x2] =	wrdreg s24  }
0xaf: {  	[dreg:$0x3] =	wrdreg $0x0  }
0xb0: {  	[dreg:$0x4] =	wrdreg $0x9  }
0xb1: {  	_ =	task.clear_ibuf [dreg:s6], $0x5FFFF;
	_ =	strace $0x90000049  }
0xb2: {  	s29 =	simm.s32 $0x9;
	_ =	strace $0x8000004B  }
0xb3: {  	_ =	swait.ge [sflag:s29], $0x1  }
0xb4: {  	[sflag:s29] =	ssyncadd.s32 $0xFFFFFFFF  }
0xb5: {  	_ =	strace $0x9000004B  }
0xb6: {  	_ =	sfence  }
0xb7: {  	s30 =	sld [smem:$0x0];
	_ =	sdelay $0x2  }
0xb8: {  	s31 =	sshll.u32 s1, $0xD;
	s1 =	sshrl.u32 s1, $0x2  }
0xb9: {  	s3 =	sand.u32 $0x4000, s31;
	s1 =	sadd.s32 s1, s30  }
0xba: {  	s0 =	sor.u32 s3, s0;
	s1 =	sshll.u32 s1, $0x11  }
0xbb: {  	s0 =	sor.u32 s1, s0  }
0xbc: {  	s0 =	sadd.s32 $0x8F2B, s0  }
0xbd: {  	[sflag:s0] =	ssyncadd.remote.s32 $0x1  }
0xbe: {  	_ =	sfence.sel $0xFFFF  }
0xbf: {  	[dreg:$0x0] =	wrdreg $0xFFFFFFFF;
	(pc) =	sbr.abs _section_cstart, $3  }
0xc0: {  	[dreg:$0x1] =	wrdreg $0xFFFFFFFF  }
0xc1: {  	_ =	task.clear_ibuf [dreg:s6], $0x2FFFF;
	_ =	strace $0x9FFFFFFF  }
0xc2: {  	(tm) =	ssettm $0x7FFFFFFF  }
0xc3: {  	_ =	shalt  }
tec
execute0_lowered:
.L_overlay_start_1:
0x0: {  	(tag) =	ssettag $0x1  }
0x1: {  	s0 =	rddreg [dreg:$0x0]  }
0x2: {  	s1 =	rddreg [dreg:$0x1];
	s2 =	srdreg.scid;
	s3 =	simm.s32 $0x0  }
0x3: {  	s10 =	stileid.u32;
	s28 =	simm.s32 $0x50;
	s29 =	simm.s32 $0x16900  }
0x4: {  	s30 =	simm.s32 $0x16A00;
	s31 =	simm.s32 $0x1;
	s7 =	smul.u32 $0x14000, s10  }
0x5: {  	s2 =	sand.u32 $0x1, s2;
	[smem:$0x7FF] =	sst s3;
	s23 =	smul.u32 $0x50000, s10  }
0x6: {  	s5 =	sadd.s32 $0x16200, s0;
	s6 =	smul.u32 $0x140000, s2;
	s22 =	ssub.s32 $0x2, s2  }
0x7: {  	s4 =	sshll.u32 s2, $0x4;
	_ =	strace $0x8000004A;
	s9 =	sshrl.u32 s22, $0x1  }
0x8: {  	s2 =	smul.u32 $0x27100, s2;
	s26 =	sshrl.u32 s23, $0x2;
	s24 =	ssub.s32 s22, s9  }
0x9: {  	s6 =	sadd.s32 s7, s6;
	s9 =	sadd.s32 s26, s1;
	s7 =	smax.u32 s24, $0x1  }
0xa: {  	s4 =	sor.u32 s10, s4;
	s12 =	sadd.s32 $0x7800, s9;
	[dreg:$0x6] =	wrdreg s7  }
0xb: {  	s8 =	smul.u32 $0x2710, s4;
	s13 =	sadd.s32 $0xA000, s9;
	[dreg:$0x9] =	wrdreg s12  }
0xc: {  	s4 =	sadd.s32 $0x2800, s0;
	s14 =	sadd.s32 $0xC800, s9;
	[dreg:$0xa] =	wrdreg s13  }
0xd: {  	s6 =	sshrl.u32 s6, $0x3;
	s15 =	sadd.s32 $0xF000, s9;
	[dreg:$0xb] =	wrdreg s14  }
0xe: {  	s18 =	sadd.s32 $0x11800, s9;
	s8 =	sshrl.u32 s8, $0x3;
	[dreg:$0xc] =	wrdreg s15  }
0xf: {  	s0 =	sadd.s32 s6, s0;
	[dreg:$0xd] =	wrdreg s18;
	s7 =	simm.s32 $0x19300  }
0x10: {  	s12 =	simm.s32 $0x19280;
	s13 =	simm.s32 $0x4;
	s11 =	sadd.s32 s4, s8  }
0x11: {  	s14 =	simm.s32 $0x6;
	s0 =	sadd.s32 $0x8EE00, s0;
	[dreg:$0x3] =	wrdreg s11  }
0x12: {  	s8 =	smul.u32 $0x2710, s10;
	s10 =	sadd.s32 $0x2800, s9;
	[dreg:$0x5] =	wrdreg s0  }
0x13: {  	s15 =	simm.s32 $0x0;
	s25 =	sadd.s32 $0xA118, s11;
	[dreg:$0x7] =	wrdreg s10  }
0x14: {  	s11 =	sadd.s32 $0x5000, s9;
	s10 =	simm.s32 $0x2;
	[dreg:$0x4] =	wrdreg s25  }
0x15: {  	[dreg:$0x8] =	wrdreg s11;
	s0 =	sadd.s32 s8, s2;
	s8 =	simm.s32 $0x3  }
0x16: {  	s11 =	simm.s32 $0x5;
	s16 =	sadd.s32 $0xA0, s0;
	s17 =	sadd.s32 $0x4E2A0, s0  }
0x17: {  	s20 =	sadd.s32 $0x4E200, s0;
	s21 =	sadd.s32 $0x50, s0;
	s22 =	sadd.s32 $0x4E250, s0  }
0x18: {  	s0 =	sadd.s32 $0xF0, s0;
	s2 =	sshrl.u32 s16, $0x3;
	s6 =	sshrl.u32 s17, $0x3  }
0x19: {  	s23 =	sshrl.u32 s21, $0x3;
	s24 =	sshrl.u32 s22, $0x3;
	[dreg:$0x11] =	wrdreg s0  }
0x1a: {  	s0 =	simm.s32 $0x14080;
	s2 =	sadd.s32 s2, s4;
	s19 =	sadd.s32 s6, s4  }
.Ltmp0:
0x1b: {  	s25 =	sadd.s32 s23, s4;
	[dreg:$0xe] =	wrdreg s2;
	(pc) =	sbr.rel .LBB2_1-.Ltmp0, $4  }
0x1c: {  	s26 =	sadd.s32 s24, s4;
	s24 =	simm.s32 $0x14100;
	[dreg:$0xf] =	wrdreg s19  }
0x1d: {  	s6 =	simm.s32 $0x16980;
	s2 =	sshrl.u32 s20, $0x3;
	[dreg:$0x12] =	wrdreg s25  }
0x1e: {  	[dreg:$0x13] =	wrdreg s26;
	s25 =	simm.s32 $0x7;
	s2 =	sadd.s32 s2, s4  }
0x1f: {  	v0 =	vimm.f32 $0.0e+00;
	s26 =	simm.s32 $0x14000;
	[dreg:$0x10] =	wrdreg s2;
	s2 =	simm.s32 $0x19200  }
.LBB2_8:
0x20: {  	_ =	swait.ge [sflag:s8], $0x2800  }
0x21: {  	[sflag:s8] =	ssyncset.done $0x0  }
0x22: {  	s16 =	rddreg [dreg:$0x4];
	[sflag:s8] =	ssyncadd.s32 $0xFFFFD800  }
0x23: {  	[tilespmem:s6], [sflag:$0x7] =	stream.linear.gather [hbm4b:s16+s3], $0x50, $0x38;
	[tilespmem:$0x1BB00] =	vst v63  }
0x24: {  	_ =	swait.ge [sflag:s25], $0x50  }
0x25: {  	[sflag:s25] =	ssyncset.done $0x0  }
0x26: {  	[sflag:s25] =	ssyncadd.s32 $0xFFFFFFB0  }
0x27: {  	[spmem:s1] =	stream.indirect.scatter.add.f32 [tilespmem:s30], [sflag:$0x4], $0x80, s6, s28, $0xb8;
	[tilespmem:$0x1BB00] =	vst v63  }
0x28: {  	_ =	swait.ge [sflag:s10], $0x2800  }
0x29: {  	[sflag:s10] =	ssyncset.done $0x0  }
0x2a: {  	[sflag:s10] =	ssyncadd.s32 $0xFFFFD800  }
0x2b: {  	_ =	swait.ge [sflag:s13], $0x2800  }
0x2c: {  	[sflag:s13] =	ssyncset.done $0x0  }
0x2d: {  	[sflag:s13] =	ssyncadd.s32 $0xFFFFD800  }
0x2e: {  	_ =	swait.ge [sflag:s14], $0x2800  }
0x2f: {  	[sflag:s14] =	ssyncset.done $0x0  }
0x30: {  	s22 =	stileid.u32;
	[sflag:s14] =	ssyncadd.s32 $0xFFFFD800  }
0x31: {  	s16 =	sshll.u32 s22, $0x6;
	[bflag:$0x0] =	sbarrier.arrive $0xFFFF  }
0x32: {  	s17 =	sshrl.u32 s9, $0x3;
	s16 =	sor.u32 $0x1C07, s16;
	s18 =	rddreg [dreg:$0x5]  }
0x33: {  	[hbm:s18], [sflag:s16] =	dma.local [spmem:s17], $0x2800  }
0x34: {  	_ =	swait.ge [sflag:s25], $0x2800  }
0x35: {  	s15 =	sadd.s32 $0x1, s15;
	s23 =	rddreg [dreg:$0x6]  }
0x36: {  	p0 =	sne.s32 s15, s23  }
.Ltmp1:
0x37: {  	_ = 	snop;
	(pc) =	sbr.rel @!p0 .LBB2_9-.Ltmp1, $3  }
0x38: {  	_ =	sdelay $0x1  }
0x39: {  	[sflag:s25] =	ssyncset.done $0x0  }
0x3a: {  	[sflag:s25] =	ssyncadd.s32 $0xFFFFD800  }
.LBB2_1:
0x3b: {  	s16 =	simm.s32 $0x70;
	s18 =	simm.s32 $0x3C0  }
.LBB2_2:
0x3c: {  	p0 =	sne.s32 s18, $0x9FC0;
	[tilespmem:s16+$0x14100] =	vst v0  }
0x3d: {  	[tilespmem:s16+$0x14090] =	vst v0  }
0x3e: {  	[tilespmem:s16+$0x140A0] =	vst v0  }
.Ltmp2:
0x3f: {  	[tilespmem:s16+$0x140B0] =	vst v0;
	(pc) =	sbr.rel @p0 .LBB2_2-.Ltmp2, $4  }
0x40: {  	[tilespmem:s16+$0x140C0] =	vst v0  }
0x41: {  	[tilespmem:s16+$0x140D0] =	vst v0  }
0x42: {  	[tilespmem:s16+$0x140E0] =	vst v0  }
0x43: {  	[tilespmem:s16+$0x140F0] =	vst v0;
	s16 =	sshra.s32 s18, $0x2;
	s18 =	sadd.s32 $0x200, s18  }
0x44: {  	[tilespmem:s16+$0x14100] =	vst v0  }
0x45: {  	[tilespmem:s16+$0x14090] =	vst v0  }
0x46: {  	[tilespmem:s16+$0x140A0] =	vst v0  }
0x47: {  	[tilespmem:s16+$0x140B0] =	vst v0  }
0x48: {  	[tilespmem:s16+$0x140C0] =	vst v0  }
0x49: {  	[tilespmem:s16+$0x140D0] =	vst v0  }
0x4a: {  	[tilespmem:s16+$0x140E0] =	vst v0  }
0x4b: {  	[tilespmem:s16+$0x140F0] =	vst v0  }
0x4c: {  	[spmem:s9] =	stream.linear.scatter [tilespmem:s24], [sflag:$0x7], $0x2800, $0x38;
	[tilespmem:$0x1BB00] =	vst v63  }
0x4d: {  	_ =	swait.ge [sflag:s25], $0x2800  }
0x4e: {  	[sflag:s25] =	ssyncset.done $0x0  }
0x4f: {  	s17 =	rddreg [dreg:$0x7];
	[sflag:s25] =	ssyncadd.s32 $0xFFFFD800  }
0x50: {  	[spmem:s17] =	stream.linear.scatter [tilespmem:s24], [sflag:$0x7], $0x2800, $0x38;
	[tilespmem:$0x1BB00] =	vst v63  }
0x51: {  	_ =	swait.ge [sflag:s25], $0x2800  }
0x52: {  	[sflag:s25] =	ssyncset.done $0x0  }
0x53: {  	s18 =	rddreg [dreg:$0x8];
	[sflag:s25] =	ssyncadd.s32 $0xFFFFD800  }
0x54: {  	[spmem:s18] =	stream.linear.scatter [tilespmem:s24], [sflag:$0x7], $0x2800, $0x38;
	[tilespmem:$0x1BB00] =	vst v63  }
0x55: {  	_ =	swait.ge [sflag:s25], $0x2800  }
0x56: {  	[sflag:s25] =	ssyncset.done $0x0  }
0x57: {  	s19 =	rddreg [dreg:$0x9];
	[sflag:s25] =	ssyncadd.s32 $0xFFFFD800  }
0x58: {  	[spmem:s19] =	stream.linear.scatter [tilespmem:s24], [sflag:$0x7], $0x2800, $0x38;
	[tilespmem:$0x1BB00] =	vst v63  }
0x59: {  	_ =	swait.ge [sflag:s25], $0x2800  }
0x5a: {  	[sflag:s25] =	ssyncset.done $0x0  }
0x5b: {  	s20 =	rddreg [dreg:$0xa];
	[sflag:s25] =	ssyncadd.s32 $0xFFFFD800  }
0x5c: {  	[spmem:s20] =	stream.linear.scatter [tilespmem:s24], [sflag:$0x7], $0x2800, $0x38;
	[tilespmem:$0x1BB00] =	vst v63  }
0x5d: {  	_ =	swait.ge [sflag:s25], $0x2800  }
0x5e: {  	[sflag:s25] =	ssyncset.done $0x0  }
0x5f: {  	s21 =	rddreg [dreg:$0xb];
	[sflag:s25] =	ssyncadd.s32 $0xFFFFD800  }
0x60: {  	[spmem:s21] =	stream.linear.scatter [tilespmem:s24], [sflag:$0x7], $0x2800, $0x38;
	[tilespmem:$0x1BB00] =	vst v63  }
0x61: {  	_ =	swait.ge [sflag:s25], $0x2800  }
0x62: {  	[sflag:s25] =	ssyncset.done $0x0  }
0x63: {  	s22 =	rddreg [dreg:$0xc];
	[sflag:s25] =	ssyncadd.s32 $0xFFFFD800  }
0x64: {  	[spmem:s22] =	stream.linear.scatter [tilespmem:s24], [sflag:$0x7], $0x2800, $0x38;
	[tilespmem:$0x1BB00] =	vst v63  }
0x65: {  	_ =	swait.ge [sflag:s25], $0x2800  }
0x66: {  	[sflag:s25] =	ssyncset.done $0x0  }
0x67: {  	s23 =	rddreg [dreg:$0xd];
	[sflag:s25] =	ssyncadd.s32 $0xFFFFD800  }
0x68: {  	[spmem:s23] =	stream.linear.scatter [tilespmem:s24], [sflag:$0x7], $0x2800, $0x38;
	[tilespmem:$0x1BB00] =	vst v63  }
0x69: {  	_ =	swait.ge [sflag:s25], $0x2800  }
0x6a: {  	[sflag:s25] =	ssyncset.done $0x0  }
0x6b: {  	[sflag:s25] =	ssyncadd.s32 $0xFFFFD800  }
0x6c: {  	[bflag:$0x0] =	sbarrier.arrive $0xFFFF  }
0x6d: {  	s16 =	simm.s32 $0x0;
	s17 =	rddreg [dreg:$0x3]  }
0x6e: {  	[tilespmem:s26], [sflag:$0x7] =	stream.linear.gather [hbm4b:s17+s16], $0x50, $0x38;
	[tilespmem:$0x1BB00] =	vst v63  }
0x6f: {  	_ =	swait.ge [sflag:s25], $0x50  }
0x70: {  	s23 =	rddreg [dreg:$0x13]  }
0x71: {  	s22 =	rddreg [dreg:$0x12]  }
.Ltmp3:
0x72: {  	s21 =	rddreg [dreg:$0x11];
	(pc) =	sbr.rel .LBB2_4-.Ltmp3, $4  }
0x73: {  	s20 =	rddreg [dreg:$0x10]  }
0x74: {  	[sflag:s25] =	ssyncset.done $0x0;
	s19 =	rddreg [dreg:$0xf]  }
0x75: {  	s18 =	rddreg [dreg:$0xe];
	[sflag:s25] =	ssyncadd.s32 $0xFFFFFFB0  }
0x76: {  	[tilespmem:s24], [sflag:$0x1] =	stream.indirect.gather [hbm4b:s5+s28], $0x80, s26, s28, $0xb8;
	[tilespmem:$0x1BB00] =	vst v63  }
.LBB2_7:
0x77: {  	[tilespmem:s2], [sflag:$0x7] =	stream.linear.gather [hbm4b:s18+s3], $0x50, $0x38;
	[tilespmem:$0x1BB00] =	vst v63  }
0x78: {  	_ =	swait.ge [sflag:s25], $0x50  }
0x79: {  	[sflag:s25] =	ssyncset.done $0x0  }
0x7a: {  	[sflag:s25] =	ssyncadd.s32 $0xFFFFFFB0  }
0x7b: {  	[tilespmem:s7], [sflag:$0x5] =	stream.indirect.gather [hbm4b:s5+s28], $0x80, s2, s28, $0xb8;
	[tilespmem:$0x1BB00] =	vst v63  }
0x7c: {  	_ =	swait.ge [sflag:s8], $0x2800  }
0x7d: {  	[sflag:s8] =	ssyncset.done $0x0  }
0x7e: {  	[sflag:s8] =	ssyncadd.s32 $0xFFFFD800  }
0x7f: {  	[tilespmem:s6], [sflag:$0x7] =	stream.linear.gather [hbm4b:s23+s3], $0x50, $0x38;
	[tilespmem:$0x1BB00] =	vst v63  }
0x80: {  	_ =	swait.ge [sflag:s25], $0x50  }
0x81: {  	[sflag:s25] =	ssyncset.done $0x0  }
0x82: {  	[sflag:s25] =	ssyncadd.s32 $0xFFFFFFB0  }
0x83: {  	[spmem:s1] =	stream.indirect.scatter.add.f32 [tilespmem:s30], [sflag:$0x4], $0x80, s6, s28, $0xb8;
	[tilespmem:$0x1BB00] =	vst v63  }
0x84: {  	_ =	swait.ge [sflag:s10], $0x2800  }
0x85: {  	s17 =	sshrl.u32 s21, $0x3;
	[sflag:s10] =	ssyncset.done $0x0  }
0x86: {  	s17 =	sadd.s32 s4, s17;
	[sflag:s10] =	ssyncadd.s32 $0xFFFFD800  }
0x87: {  	[tilespmem:s26], [sflag:$0x7] =	stream.linear.gather [hbm4b:s17+s3], $0x50, $0x38;
	[tilespmem:$0x1BB00] =	vst v63  }
0x88: {  	_ =	swait.ge [sflag:s25], $0x50  }
0x89: {  	[sflag:s25] =	ssyncset.done $0x0  }
0x8a: {  	[sflag:s25] =	ssyncadd.s32 $0xFFFFFFB0  }
0x8b: {  	[tilespmem:s24], [sflag:$0x1] =	stream.indirect.gather [hbm4b:s5+s28], $0x80, s26, s28, $0xb8;
	[tilespmem:$0x1BB00] =	vst v63  }
0x8c: {  	_ =	swait.ge [sflag:s11], $0x2800  }
0x8d: {  	[sflag:s11] =	ssyncset.done $0x0  }
0x8e: {  	s16 =	sadd.s32 $0x1, s16;
	[sflag:s11] =	ssyncadd.s32 $0xFFFFD800  }
0x8f: {  	[tilespmem:s12], [sflag:$0x7] =	stream.linear.gather [hbm4b:s19+s3], $0x50, $0x38;
	[tilespmem:$0x1BB00] =	vst v63  }
0x90: {  	s18 =	sadd.s32 $0x1E, s18;
	s20 =	sadd.s32 $0x1E, s20;
	_ =	swait.ge [sflag:s25], $0x50  }
0x91: {  	s21 =	sadd.s32 $0xF0, s21;
	s22 =	sadd.s32 $0x1E, s22;
	[sflag:s25] =	ssyncset.done $0x0  }
0x92: {  	s23 =	sadd.s32 $0x1E, s23;
	s19 =	sadd.s32 $0x1E, s19;
	[sflag:s25] =	ssyncadd.s32 $0xFFFFFFB0  }
0x93: {  	[spmem:s1] =	stream.indirect.scatter.add.f32 [tilespmem:s7], [sflag:$0x6], $0x80, s12, s28, $0xb8;
	[tilespmem:$0x1BB00] =	vst v63  }
.LBB2_4:
0x94: {  	p0 =	seq.s32 s16, $0x0  }
0x95: {  	s17 =	simm.s32 @!p0 $0x4  }
0x96: {  	_ =	swait.ge @!p0 [sflag:s17], $0x2800  }
0x97: {  	[sflag:s17] =	ssyncset.done @!p0 $0x0  }
0x98: {  	[sflag:s17] =	ssyncadd.s32 @!p0 $0xFFFFD800  }
0x99: {  	[tilespmem:s29], [sflag:$0x7] =	stream.linear.gather [hbm4b:s22+s3], $0x50, $0x38;
	[tilespmem:$0x1BB00] =	vst v63  }
0x9a: {  	_ =	swait.ge [sflag:s25], $0x50  }
0x9b: {  	[sflag:s25] =	ssyncset.done $0x0  }
0x9c: {  	[sflag:s25] =	ssyncadd.s32 $0xFFFFFFB0  }
0x9d: {  	[tilespmem:s30], [sflag:$0x3] =	stream.indirect.gather [hbm4b:s5+s28], $0x80, s29, s28, $0xb8;
	[tilespmem:$0x1BB00] =	vst v63  }
0x9e: {  	_ =	swait.ge [sflag:s31], $0x2800  }
0x9f: {  	[sflag:s31] =	ssyncset.done $0x0  }
0xa0: {  	[sflag:s31] =	ssyncadd.s32 $0xFFFFD800  }
0xa1: {  	[tilespmem:s0], [sflag:$0x7] =	stream.linear.gather [hbm4b:s20+s3], $0x50, $0x38;
	[tilespmem:$0x1BB00] =	vst v63  }
.Ltmp4:
0xa2: {  	_ = 	snop;
	(pc) =	sbr.rel @p0 .LBB2_7-.Ltmp4, $4  }
0xa3: {  	_ =	swait.ge [sflag:s25], $0x50  }
0xa4: {  	[sflag:s25] =	ssyncset.done $0x0  }
0xa5: {  	[sflag:s25] =	ssyncadd.s32 $0xFFFFFFB0  }
0xa6: {  	[spmem:s1] =	stream.indirect.scatter.add.f32 [tilespmem:s24], [sflag:$0x2], $0x80, s0, s28, $0xb8;
	[tilespmem:$0x1BB00] =	vst v63  }
0xa7: {  	p0 =	seq.s32 s16, $0x29  }
.Ltmp5:
0xa8: {  	_ = 	snop;
	(pc) =	sbr.rel @p0 .LBB2_8-.Ltmp5, $1  }
0xa9: {  	_ =	sdelay $0x3  }
.Ltmp6:
0xaa: {  	(pc) =	sbr.rel .LBB2_7-.Ltmp6, $4  }
0xab: {  	_ = 	snop  }
0xac: {  	_ =	swait.ge [sflag:s14], $0x2800  }
0xad: {  	[sflag:s14] =	ssyncset.done $0x0  }
0xae: {  	[sflag:s14] =	ssyncadd.s32 $0xFFFFD800  }
.LBB2_9:
0xaf: {  	_ =	sfence.sel $0x180000  }
0xb0: {  	[bflag:$0x0] =	sbarrier.arrive $0xFFFF  }
0xb1: {  	_ =	strace $0x9000004A  }
0xb2: {  	s0 =	stileid.u32;
	[bflag:$0x2] =	sbarrier.arrive $0xFFFF  }
0xb3: {  	p0 =	sne.s32 s0, $0x0;
	s0 =	rddreg [dreg:$0x2]  }
0xb4: {  	s0 =	sadd.s32 @!p0 $0x100000, s0  }
0xb5: {  	[sflag:s0] =	ssyncadd.tile.s32 @!p0 $0x1;
	_ =	shalt  }
.Lfunc_end2:
_tile_overlayer_lowered:
.L_overlay_start_2:
0xb6: {  	(tag) =	ssettag $0x2  }
0xb7: {  	s0 =	rddreg [dreg:$0x0];
	s2 =	stileid.u32  }
0xb8: {  	s1 =	rddreg [dreg:$0x1];
	p0 =	sne.s32 s2, $0x0  }
0xb9: {  	s3 =	rddreg [dreg:$0x2];
	[bflag:$0x3] =	sbarrier.arrive $0xFFFF;
	s2 =	simm.s32 @!p0 $0x1C07  }
0xba: {  	[timem:s3], [sflag:s2] =	dma.local @!p0 [hbm:s0], s1  }
0xbb: {  	s0 =	simm.s32 @!p0 $0x7  }
0xbc: {  	_ =	swait.ge @!p0 [sflag:s0], s1  }
0xbd: {  	s1 =	ssub.s32 @!p0 $0x0, s1;
	[sflag:s0] =	ssyncset.done @!p0 $0x0  }
0xbe: {  	[sflag:s0] =	ssyncadd.s32 @!p0 s1  }
0xbf: {  	[bflag:$0x3] =	sbarrier.arrive $0xFFFF  }
0xc0: {  	_ =	shalt  }

// kernel: kernel.7.cloned.1.call-start
scs
__scs_entry_jumppad:
0x0: {  	(pc) =	sbr.rel $0x88, $3  }
0x1: {  	(tag) =	ssettag $0x0;
	lr =	simm.s32 $0x1  }
0x2: {  	[smem:$0x3F99] =	sst lr;
	_ =	strace $0xD0000000  }
0x3: {  	_ = 	snop  }
0x4: {  	_ = 	snop  }
0x5: {  	_ = 	snop  }
0x6: {  	_ = 	snop  }
0x7: {  	_ = 	snop  }
__scs_overlays_trampoline_lowered:
0x8: {  	[smem:$0x3FA8] =	sst s0  }
0x9: {  	[smem:$0x3FA9] =	sst s1  }
0xa: {  	[smem:$0x3FAA] =	sst s2  }
0xb: {  	[smem:$0x3FAB] =	sst s3  }
0xc: {  	[smem:$0x3FAC] =	sst s4  }
0xd: {  	[smem:$0x3FAD] =	sst s5  }
0xe: {  	[smem:$0x3FAE] =	sst s6  }
0xf: {  	[smem:$0x3FAF] =	sst s7  }
0x10: {  	[smem:$0x3FB0] =	sst s8  }
0x11: {  	[smem:$0x3FB1] =	sst s9;
	s0 =	simm.s32 @!p0 $0x0  }
0x12: {  	s1 =	sld [smem:$0x3F97];
	s0 =	simm.s32 @p0 $0x1  }
0x13: {  	[smem:$0x3FB2] =	sst s0;
	s0 =	simm.s32 @!p1 $0x0  }
0x14: {  	s2 =	sld [smem:$0x3F96];
	s0 =	simm.s32 @p1 $0x1  }
0x15: {  	[smem:$0x3FB3] =	sst s0;
	s0 =	simm.s32 @!p2 $0x0  }
0x16: {  	s3 =	sld [smem:$0x3FDB];
	s0 =	simm.s32 @p2 $0x1  }
0x17: {  	s4 =	simm.s32 $0x1BF5;
	[smem:$0x3FB5] =	sst s0  }
0x18: {  	s0 =	sld [smem:$0x3F98];
	_ =	swait.ge [sflag:s4], $0x0  }
0x19: {  	s7 =	sld [smem:$0x3F99]  }
0x1a: {  	s8 =	sadd.s32 $0xFFFFE003, lr  }
0x1b: {  	s9 =	sadd.s32 $0xFFFFFEF7, lr;
	s5 =	simm.s32 $0xFFFFFFFF;
	p2 =	slt.u32 s8, $0xFFFFF086  }
0x1c: {  	p1 =	slt.u32 s9, $0xF7A;
	s5 =	simm.s32 @!p2 $0x0  }
0x1d: {  	s5 =	simm.s32 @p1 $0x1;
	p0 =	seq.s32 s7, s2  }
0x1e: {  	s7 =	smul.u32 @!p0 $0xF7A, s2;
	p2 =	seq.s32 @!p0 s5, $0x0  }
0x1f: {  	s9 =	smul.u32 $0xF7A, s1;
	s8 =	simm.s32 @!p0 $0x1BF5;
	p2 =	por !p2, p0  }
0x20: {  	[sflag:s8] =	ssyncset.s32 @!p0 $0xFFFFF086;
	s6 =	sadd.s32 @!p0 s3, s7;
	s7 =	simm.s32 @!p0 $0x108  }
0x21: {  	s3 =	sadd.s32 s3, s9;
	s6 =	sadd.s32 @!p0 $0x88, s6;
	s7 =	simm.s32 @p2 $0x1082  }
0x22: {  	[simem:s7], [sflag:s8] =	dma.local @!p0 [hbm:s6], $0xF7A  }
0x23: {  	s9 =	sor.u32 $0xD0000000, s2;
	s6 =	simm.s32 $0x108;
	_ =	swait.ge @!p0 [sflag:s8], $0x0  }
0x24: {  	s3 =	sadd.s32 $0x88, s3;
	s6 =	simm.s32 @!p1 $0x1082;
	[sflag:s4] =	ssyncset.s32 $0xFFFFF086  }
0x25: {  	[simem:s6], [sflag:s4] =	dma.local [hbm:s3], $0xF7A  }
0x26: {  	[smem:$0x3F99] =	sst s1;
	(tag) =	ssettag s2;
	_ =	strace s9  }
0x27: {  	s1 =	sld [smem:$0x3FA9]  }
0x28: {  	s2 =	sld [smem:$0x3FAA]  }
0x29: {  	s4 =	sld [smem:$0x3FAC]  }
0x2a: {  	p0 =	seq.s32 s5, $0x0;
	s5 =	sld [smem:$0x3FAD]  }
0x2b: {  	s6 =	sld [smem:$0x3FAE]  }
0x2c: {  	s7 =	sld [smem:$0x3FAF]  }
0x2d: {  	s3 =	simm.s32 $0x108;
	s8 =	sld [smem:$0x3FB0]  }
0x2e: {  	s3 =	simm.s32 @!p0 $0x1082;
	s9 =	sld [smem:$0x3FB1]  }
0x2f: {  	lr =	sadd.s32 s0, s3;
	s0 =	sld [smem:$0x3FA8]  }
0x30: {  	s3 =	sld [smem:$0x3FAB]  }
0x31: {  	[smem:$0x3FB4] =	sst s10  }
0x32: {  	s10 =	sld [smem:$0x3FB2];
	_ =	sdelay $0x3  }
0x33: {  	p0 =	seq.s32 s10, $0x1;
	s10 =	sld [smem:$0x3FB4];
	_ =	sdelay $0x3  }
0x34: {  	[smem:$0x3FB4] =	sst s10  }
0x35: {  	s10 =	sld [smem:$0x3FB3];
	_ =	sdelay $0x3  }
0x36: {  	p1 =	seq.s32 s10, $0x1;
	s10 =	sld [smem:$0x3FB4];
	_ =	sdelay $0x3  }
0x37: {  	[smem:$0x3FB4] =	sst s10  }
0x38: {  	s10 =	sld [smem:$0x3FB5]  }
0x39: {  	_ = 	snop;
	(pc) =	sbr.ind lr, $3  }
0x3a: {  	_ = 	snop  }
0x3b: {  	_ = 	snop  }
0x3c: {  	p2 =	seq.s32 s10, $0x1;
	s10 =	sld [smem:$0x3FB4]  }
0x3d: {  	_ =	shalt  }
0x3e: {  	_ =	shalt  }
0x3f: {  	_ =	shalt  }
0x40: {  	_ =	shalt  }
0x41: {  	_ =	shalt  }
0x42: {  	_ =	shalt  }
0x43: {  	_ =	shalt  }
0x44: {  	_ =	shalt  }
0x45: {  	_ =	shalt  }
0x46: {  	_ =	shalt  }
0x47: {  	_ =	shalt  }
0x48: {  	_ =	shalt  }
0x49: {  	_ =	shalt  }
0x4a: {  	_ =	shalt  }
0x4b: {  	_ =	shalt  }
0x4c: {  	_ =	shalt  }
0x4d: {  	_ =	shalt  }
0x4e: {  	_ =	shalt  }
0x4f: {  	_ =	shalt  }
0x50: {  	_ =	shalt  }
0x51: {  	_ =	shalt  }
0x52: {  	_ =	shalt  }
0x53: {  	_ =	shalt  }
0x54: {  	_ =	shalt  }
0x55: {  	_ =	shalt  }
0x56: {  	_ =	shalt  }
0x57: {  	_ =	shalt  }
0x58: {  	_ =	shalt  }
0x59: {  	_ =	shalt  }
0x5a: {  	_ =	shalt  }
0x5b: {  	_ =	shalt  }
0x5c: {  	_ =	shalt  }
0x5d: {  	_ =	shalt  }
0x5e: {  	_ =	shalt  }
0x5f: {  	_ =	shalt  }
0x60: {  	_ =	shalt  }
0x61: {  	_ =	shalt  }
0x62: {  	_ =	shalt  }
0x63: {  	_ =	shalt  }
0x64: {  	_ =	shalt  }
0x65: {  	_ =	shalt  }
0x66: {  	_ =	shalt  }
0x67: {  	_ =	shalt  }
0x68: {  	_ =	shalt  }
0x69: {  	_ =	shalt  }
0x6a: {  	_ =	shalt  }
0x6b: {  	_ =	shalt  }
0x6c: {  	_ =	shalt  }
0x6d: {  	_ =	shalt  }
0x6e: {  	_ =	shalt  }
0x6f: {  	_ =	shalt  }
0x70: {  	_ =	shalt  }
0x71: {  	_ =	shalt  }
0x72: {  	_ =	shalt  }
0x73: {  	_ =	shalt  }
0x74: {  	_ =	shalt  }
0x75: {  	_ =	shalt  }
0x76: {  	_ =	shalt  }
0x77: {  	_ =	shalt  }
0x78: {  	_ =	shalt  }
0x79: {  	_ =	shalt  }
0x7a: {  	_ =	shalt  }
0x7b: {  	_ =	shalt  }
0x7c: {  	_ =	shalt  }
0x7d: {  	_ =	shalt  }
0x7e: {  	_ =	shalt  }
0x7f: {  	_ =	shalt  }
0x80: {  	_ =	shalt  }
0x81: {  	_ =	shalt  }
0x82: {  	_ =	shalt  }
0x83: {  	_ =	shalt  }
0x84: {  	_ =	shalt  }
0x85: {  	_ =	shalt  }
0x86: {  	_ =	shalt  }
0x87: {  	_ =	shalt  }
.Lfunc_end0:
.L_simem_size_0:
called_computation_lowered:
.L_overlay_start_0:
0x88: {  	s2 =	sld [smem:$0x3FD9]  }
0x89: {  	s3 =	sld [smem:$0x3FFE];
	_ =	sdelay $0x1  }
0x8a: {  	s1 =	srdreg.scid  }
0x8b: {  	s0 =	sand.u32 $0x1, s1  }
0x8c: {  	s16 =	sshll.u32 s0, $0xA;
	s2 =	sadd.s32 s3, s2  }
0x8d: {  	s2 =	sadd.s32 s2, s16  }
0x8e: {  	[smem:$0x3FC0] =	sst s2  }
0x8f: {  	_ = 	snop  }
0x90: {  	(tm) =	ssettm $0x1  }
0x91: {  	s17 =	sld [smem:$0x3FFB];
	_ =	sdelay $0x3  }
0x92: {  	_ =	strace s17  }
0x93: {  	s2 =	sld [smem:$0x3FFC];
	_ =	sdelay $0x3  }
0x94: {  	_ =	strace s2  }
0x95: {  	s2 =	sld [smem:$0x3FFD];
	_ =	sdelay $0x3  }
0x96: {  	_ =	strace s2  }
0x97: {  	_ =	strace $0x8FFFFFFF  }
0x98: {  	s18 =	sld [smem:$0x3FDB];
	_ =	sdelay $0x1  }
0x99: {  	s19 =	simm.s32 $_scs_section_size  }
0x9a: {  	s4 =	simm.s32 $_size__tile_overlayer_lowered;
	s5 =	simm.s32 $_tile_overlayer_lowered  }
0x9b: {  	s22 =	simm.s32 $0x1BFF;
	s21 =	sshll.u32 s5, $0x1;
	s2 =	sadd.s32 s19, s18  }
0x9c: {  	s6 =	simm.s32 $0x0;
	s20 =	sshll.u32 s4, $0x1;
	s4 =	sadd.s32 s21, s2  }
0x9d: {  	[timem:s6], [sflag:s22] =	dma.local [hbm:s4], s20  }
0x9e: {  	_ =	swait.ge [sflag:s22], s20  }
0x9f: {  	s3 =	ssub.s32 $0x0, s20;
	[sflag:s22] =	ssyncset.done $0x0  }
0xa0: {  	[sflag:s22] =	ssyncadd.s32 s3;
	_ =	sdelay $0x1  }
0xa1: {  	s23 =	simm.s32 $0x1B8B  }
0xa2: {  	_ =	swait.ge [sflag:s23], $0x1  }
0xa3: {  	[sflag:s23] =	ssyncset.done $0x0  }
0xa4: {  	s25 =	simm.s32 $0x1B8E;
	s24 =	sld [smem:$0x3FFE];
	[sflag:s23] =	ssyncadd.s32 $0xFFFFFFFF  }
0xa5: {  	s26 =	simm.s32 $execute0_lowered;
	[smem:$0x3FD2] =	sst s25  }
0xa6: {  	s4 =	sshll.u32 s26, $0x1;
	_ =	strace $0x80000046;
	[dreg:$0x1] =	wrdreg $0xFFFFFFFF  }
0xa7: {  	s28 =	simm.s32 $_size_execute0_lowered;
	s2 =	sadd.s32 s2, s4;
	[dreg:$0x0] =	wrdreg $0x0  }
0xa8: {  	s4 =	sshll.u32 s28, $0x1;
	[dreg:$0x2] =	wrdreg s2  }
0xa9: {  	[dreg:$0x3] =	wrdreg s4  }
0xaa: {  	[dreg:$0x4] =	wrdreg $0xC0  }
0xab: {  	_ =	task [dreg:s6], $0x5FFFF  }
0xac: {  	[dreg:$0x1] =	wrdreg $0xFFFFFFFF  }
0xad: {  	[dreg:$0x0] =	wrdreg $0x60  }
0xae: {  	[dreg:$0x2] =	wrdreg s24  }
0xaf: {  	[dreg:$0x3] =	wrdreg $0x0  }
0xb0: {  	[dreg:$0x4] =	wrdreg $0x140000  }
0xb1: {  	[dreg:$0x5] =	wrdreg $0x142800  }
0xb2: {  	[dreg:$0x6] =	wrdreg $0x9  }
0xb3: {  	_ =	task.clear_ibuf [dreg:s6], $0x7FFFF;
	_ =	strace $0x90000046  }
0xb4: {  	s29 =	simm.s32 $0x9;
	_ =	strace $0x80000048  }
0xb5: {  	_ =	swait.ge [sflag:s29], $0x1  }
0xb6: {  	[sflag:s29] =	ssyncadd.s32 $0xFFFFFFFF  }
0xb7: {  	_ =	strace $0x90000048  }
0xb8: {  	_ =	sfence  }
0xb9: {  	s30 =	sld [smem:$0x0];
	_ =	sdelay $0x2  }
0xba: {  	s31 =	sshll.u32 s1, $0xD;
	s1 =	sshrl.u32 s1, $0x2  }
0xbb: {  	s3 =	sand.u32 $0x4000, s31;
	s1 =	sadd.s32 s1, s30  }
0xbc: {  	s0 =	sor.u32 s3, s0;
	s1 =	sshll.u32 s1, $0x11  }
0xbd: {  	s0 =	sor.u32 s1, s0  }
0xbe: {  	s0 =	sadd.s32 $0x8F2B, s0  }
0xbf: {  	[sflag:s0] =	ssyncadd.remote.s32 $0x1  }
0xc0: {  	_ =	sfence.sel $0xFFFF  }
0xc1: {  	[dreg:$0x0] =	wrdreg $0xFFFFFFFF;
	(pc) =	sbr.abs _section_cstart, $3  }
0xc2: {  	[dreg:$0x1] =	wrdreg $0xFFFFFFFF  }
0xc3: {  	_ =	task.clear_ibuf [dreg:s6], $0x2FFFF;
	_ =	strace $0x9FFFFFFF  }
0xc4: {  	(tm) =	ssettm $0x7FFFFFFF  }
0xc5: {  	_ =	shalt  }
tec
execute0_lowered:
.L_overlay_start_1:
0x0: {  	(tag) =	ssettag $0x1  }
0x1: {  	s0 =	rddreg [dreg:$0x0]  }
0x2: {  	s1 =	rddreg [dreg:$0x1]  }
0x3: {  	s2 =	rddreg [dreg:$0x2]  }
0x4: {  	s4 =	rddreg [dreg:$0x3]  }
0x5: {  	s5 =	simm.s32 $0x0;
	s3 =	srdreg.scid;
	s14 =	stileid.u32  }
0x6: {  	s28 =	simm.s32 $0x19500;
	s29 =	simm.s32 $0x14D00;
	s30 =	simm.s32 $0x7D0  }
0x7: {  	s31 =	simm.s32 $0x15500;
	[smem:$0x7FF] =	sst s5;
	s3 =	sand.u32 $0x1, s3  }
0x8: {  	s6 =	sadd.s32 $0x2800, s0;
	s8 =	smul.u32 $0x14000, s14;
	s9 =	sadd.s32 $0x16200, s0  }
0x9: {  	s10 =	sadd.s32 $0x16800, s0;
	_ =	strace $0x80000047;
	[dreg:$0x5] =	wrdreg s9  }
0xa: {  	s11 =	smul.u32 $0x280, s14;
	s7 =	ssub.s32 $0x2, s3;
	[dreg:$0x6] =	wrdreg s10  }
0xb: {  	s12 =	sshll.u32 s3, $0x4;
	s15 =	sor.u32 s14, s3;
	p0 =	seq.s32 s3, $0x0  }
0xc: {  	s13 =	sshrl.u32 s7, $0x1;
	s9 =	sadd.s32 s8, s1;
	s10 =	sadd.s32 s11, s2  }
0xd: {  	s4 =	sadd.s32 s11, s4;
	s12 =	sor.u32 s14, s12;
	s8 =	sshrl.u32 s8, $0x3  }
0xe: {  	s7 =	ssub.s32 s7, s13;
	s13 =	smul.u32 $0x4E20, s14;
	[dreg:$0x7] =	wrdreg s4  }
0xf: {  	s12 =	smul.u32 $0x2710, s12;
	s24 =	smax.u32 s7, $0x1;
	s7 =	simm.s32 $0x16E00  }
0x10: {  	s23 =	sshrl.u32 s13, $0x3;
	[dreg:$0x8] =	wrdreg s24;
	s7 =	simm.s32 @!p0 $0x3EE00  }
0x11: {  	p0 =	sne.s32 s15, $0x0;
	s3 =	sadd.s32 s6, s23;
	s0 =	sadd.s32 s7, s0  }
0x12: {  	s7 =	simm.s32 $0x15D00;
	s25 =	sadd.s32 $0x9C40, s3;
	s26 =	sadd.s32 $0x9D3A, s3  }
0x13: {  	s16 =	sadd.s32 $0x9E34, s3;
	s17 =	sadd.s32 $0x9F2E, s3;
	s18 =	sadd.s32 $0xA028, s3  }
0x14: {  	s19 =	sadd.s32 $0xA122, s3;
	s20 =	sadd.s32 $0xA21C, s3;
	s21 =	sadd.s32 $0xA316, s3  }
0x15: {  	s22 =	sadd.s32 s0, s8;
	s23 =	sadd.s32 $0xA410, s3;
	s24 =	sadd.s32 $0xA50A, s3  }
0x16: {  	s0 =	simm.s32 $0x16D00;
	s3 =	simm.s32 $0x14500;
	[dreg:$0x9] =	wrdreg s25  }
0x17: {  	v0 =	vimm.f32 $0.0e+00;
	v1 =	vimm.f32 $1.000000000e+00;
	[dreg:$0xa] =	wrdreg s26;
	s25 =	simm.s32 $0x16500;
	s26 =	simm.s32 $0x1  }
.LBB2_1:
0x18: {  	s8 =	simm.s32 $0x0  }
.LBB2_2:
0x19: {  	p1 =	sne.s32 s8, $0x1FC0  }
.Ltmp0:
0x1a: {  	_ = 	snop;
	(pc) =	sbr.rel @p1 .LBB2_2-.Ltmp0, $3  }
0x1b: {  	_ =	sdelay $0x1  }
0x1c: {  	s11 =	sshra.s32 s8, $0x2  }
0x1d: {  	s8 =	sadd.s32 $0x40, s8;
	[tilespmem:s11+$0x16500] =	vst v0  }
0x1e: {  	s8 =	sadd.s32 $0x0, s9  }
0x1f: {  	[spmem:s8] =	stream.linear.scatter [tilespmem:s25], [sflag:$0x1], $0x800, $0x38;
	[tilespmem:$0x1BD00] =	vst v63  }
0x20: {  	s8 =	simm.s32 $0x2000;
	_ =	swait.ge [sflag:s26], $0x800  }
.LBB2_4:
0x21: {  	s11 =	sshra.s32 s8, $0x2;
	[sflag:s26] =	ssyncset.done $0x0;
	p1 =	sne.s32 s8, $0x4E000  }
.Ltmp1:
0x22: {  	s11 =	sadd.s32 s11, s9;
	[sflag:s26] =	ssyncadd.s32 $0xFFFFF800;
	(pc) =	sbr.rel @p1 .LBB2_4-.Ltmp1, $3  }
0x23: {  	[spmem:s11] =	stream.linear.scatter [tilespmem:s25], [sflag:$0x1], $0x800, $0x38;
	[tilespmem:$0x1BD00] =	vst v63  }
0x24: {  	s8 =	sadd.s32 $0x2000, s8;
	_ =	sdelay $0x1  }
0x25: {  	_ =	swait.ge [sflag:s26], $0x800  }
0x26: {  	[sflag:s26] =	ssyncset.done $0x0  }
0x27: {  	[sflag:s26] =	ssyncadd.s32 $0xFFFFF800  }
0x28: {  	[spmem:s10] =	stream.linear.scatter [tilespmem:s25], [sflag:$0x1], $0x280, $0x38;
	[tilespmem:$0x1BD00] =	vst v63  }
0x29: {  	_ =	swait.ge [sflag:s26], $0x280  }
0x2a: {  	[sflag:s26] =	ssyncset.done $0x0  }
0x2b: {  	s8 =	simm.s32 $0x40;
	s11 =	simm.s32 $0x0;
	[sflag:s26] =	ssyncadd.s32 $0xFFFFFD80  }
.LBB2_6:
0x2c: {  	p1 =	sne.s32 s8, $0x1F00;
	[tilespmem:s11+$0x15500] =	vst v1;
	s11 =	smov.u32 s8;
	s8 =	sadd.s32 $0x40, s8  }
.Ltmp2:
0x2d: {  	(pc) =	sbr.rel @p1 .LBB2_6-.Ltmp2, $2  }
0x2e: {  	_ =	sdelay $0x2  }
0x2f: {  	s11 =	sshra.s32 s11, $0x2  }
0x30: {  	[tilespmem:s11+$0x15500] =	vst v1;
	s8 =	simm.s32 $0x0;
	s4 =	rddreg [dreg:$0x5]  }
0x31: {  	[tilespmem:s28], [sflag:$0x1] =	stream.linear.gather [hbm4b:s4+s8], $0x2800, $0x38;
	[tilespmem:$0x1BD00] =	vst v63  }
0x32: {  	_ =	swait.ge [sflag:s26], $0x2800  }
0x33: {  	[sflag:s26] =	ssyncset.done $0x0  }
0x34: {  	[sflag:s26] =	ssyncadd.s32 $0xFFFFD800  }
0x35: {  	[bflag:$0x0] =	sbarrier.arrive $0xFFFF  }
0x36: {  	s13 =	rddreg [dreg:$0x9]  }
0x37: {  	[tilespmem:s29], [sflag:$0x1] =	stream.linear.gather [hbm4b:s13+s8], $0x7D0, $0x38;
	[tilespmem:$0x1BD00] =	vst v63  }
0x38: {  	_ =	swait.ge [sflag:s26], $0x7D0  }
0x39: {  	[sflag:s26] =	ssyncset.done $0x0  }
0x3a: {  	[sflag:s26] =	ssyncadd.s32 $0xFFFFF830  }
0x3b: {  	[spmem:s2] =	stream.indirect.scatter.add.f32 [tilespmem:s31], [sflag:$0x1], $0x1, s29, s30, $0xb8;
	[tilespmem:$0x1BD00] =	vst v63  }
0x3c: {  	_ =	swait.ge [sflag:s26], $0x7D0  }
0x3d: {  	[sflag:s26] =	ssyncset.done $0x0  }
0x3e: {  	s15 =	rddreg [dreg:$0xa];
	[sflag:s26] =	ssyncadd.s32 $0xFFFFF830  }
0x3f: {  	[tilespmem:s29], [sflag:$0x1] =	stream.linear.gather [hbm4b:s15+s8], $0x7D0, $0x38;
	[tilespmem:$0x1BD00] =	vst v63  }
0x40: {  	_ =	swait.ge [sflag:s26], $0x7D0  }
0x41: {  	[sflag:s26] =	ssyncset.done $0x0  }
0x42: {  	[sflag:s26] =	ssyncadd.s32 $0xFFFFF830  }
0x43: {  	[spmem:s2] =	stream.indirect.scatter.add.f32 [tilespmem:s31], [sflag:$0x1], $0x1, s29, s30, $0xb8;
	[tilespmem:$0x1BD00] =	vst v63  }
0x44: {  	_ =	swait.ge [sflag:s26], $0x7D0  }
0x45: {  	[sflag:s26] =	ssyncset.done $0x0  }
0x46: {  	[sflag:s26] =	ssyncadd.s32 $0xFFFFF830  }
0x47: {  	[tilespmem:s29], [sflag:$0x1] =	stream.linear.gather [hbm4b:s16+s8], $0x7D0, $0x38;
	[tilespmem:$0x1BD00] =	vst v63  }
0x48: {  	_ =	swait.ge [sflag:s26], $0x7D0  }
0x49: {  	[sflag:s26] =	ssyncset.done $0x0  }
0x4a: {  	[sflag:s26] =	ssyncadd.s32 $0xFFFFF830  }
0x4b: {  	[spmem:s2] =	stream.indirect.scatter.add.f32 [tilespmem:s31], [sflag:$0x1], $0x1, s29, s30, $0xb8;
	[tilespmem:$0x1BD00] =	vst v63  }
0x4c: {  	_ =	swait.ge [sflag:s26], $0x7D0  }
0x4d: {  	[sflag:s26] =	ssyncset.done $0x0  }
0x4e: {  	[sflag:s26] =	ssyncadd.s32 $0xFFFFF830  }
0x4f: {  	[tilespmem:s29], [sflag:$0x1] =	stream.linear.gather [hbm4b:s17+s8], $0x7D0, $0x38;
	[tilespmem:$0x1BD00] =	vst v63  }
0x50: {  	_ =	swait.ge [sflag:s26], $0x7D0  }
0x51: {  	[sflag:s26] =	ssyncset.done $0x0  }
0x52: {  	[sflag:s26] =	ssyncadd.s32 $0xFFFFF830  }
0x53: {  	[spmem:s2] =	stream.indirect.scatter.add.f32 [tilespmem:s31], [sflag:$0x1], $0x1, s29, s30, $0xb8;
	[tilespmem:$0x1BD00] =	vst v63  }
0x54: {  	_ =	swait.ge [sflag:s26], $0x7D0  }
0x55: {  	[sflag:s26] =	ssyncset.done $0x0  }
0x56: {  	[sflag:s26] =	ssyncadd.s32 $0xFFFFF830  }
0x57: {  	[tilespmem:s29], [sflag:$0x1] =	stream.linear.gather [hbm4b:s18+s8], $0x7D0, $0x38;
	[tilespmem:$0x1BD00] =	vst v63  }
0x58: {  	_ =	swait.ge [sflag:s26], $0x7D0  }
0x59: {  	[sflag:s26] =	ssyncset.done $0x0  }
0x5a: {  	[sflag:s26] =	ssyncadd.s32 $0xFFFFF830  }
0x5b: {  	[spmem:s2] =	stream.indirect.scatter.add.f32 [tilespmem:s31], [sflag:$0x1], $0x1, s29, s30, $0xb8;
	[tilespmem:$0x1BD00] =	vst v63  }
0x5c: {  	_ =	swait.ge [sflag:s26], $0x7D0  }
0x5d: {  	[sflag:s26] =	ssyncset.done $0x0  }
0x5e: {  	[sflag:s26] =	ssyncadd.s32 $0xFFFFF830  }
0x5f: {  	[tilespmem:s29], [sflag:$0x1] =	stream.linear.gather [hbm4b:s19+s8], $0x7D0, $0x38;
	[tilespmem:$0x1BD00] =	vst v63  }
0x60: {  	_ =	swait.ge [sflag:s26], $0x7D0  }
0x61: {  	[sflag:s26] =	ssyncset.done $0x0  }
0x62: {  	[sflag:s26] =	ssyncadd.s32 $0xFFFFF830  }
0x63: {  	[spmem:s2] =	stream.indirect.scatter.add.f32 [tilespmem:s31], [sflag:$0x1], $0x1, s29, s30, $0xb8;
	[tilespmem:$0x1BD00] =	vst v63  }
0x64: {  	_ =	swait.ge [sflag:s26], $0x7D0  }
0x65: {  	[sflag:s26] =	ssyncset.done $0x0  }
0x66: {  	[sflag:s26] =	ssyncadd.s32 $0xFFFFF830  }
0x67: {  	[tilespmem:s29], [sflag:$0x1] =	stream.linear.gather [hbm4b:s20+s8], $0x7D0, $0x38;
	[tilespmem:$0x1BD00] =	vst v63  }
0x68: {  	_ =	swait.ge [sflag:s26], $0x7D0  }
0x69: {  	[sflag:s26] =	ssyncset.done $0x0  }
0x6a: {  	[sflag:s26] =	ssyncadd.s32 $0xFFFFF830  }
0x6b: {  	[spmem:s2] =	stream.indirect.scatter.add.f32 [tilespmem:s31], [sflag:$0x1], $0x1, s29, s30, $0xb8;
	[tilespmem:$0x1BD00] =	vst v63  }
0x6c: {  	_ =	swait.ge [sflag:s26], $0x7D0  }
0x6d: {  	[sflag:s26] =	ssyncset.done $0x0  }
0x6e: {  	[sflag:s26] =	ssyncadd.s32 $0xFFFFF830  }
0x6f: {  	[tilespmem:s29], [sflag:$0x1] =	stream.linear.gather [hbm4b:s21+s8], $0x7D0, $0x38;
	[tilespmem:$0x1BD00] =	vst v63  }
0x70: {  	_ =	swait.ge [sflag:s26], $0x7D0  }
0x71: {  	[sflag:s26] =	ssyncset.done $0x0  }
0x72: {  	[sflag:s26] =	ssyncadd.s32 $0xFFFFF830  }
0x73: {  	[spmem:s2] =	stream.indirect.scatter.add.f32 [tilespmem:s31], [sflag:$0x1], $0x1, s29, s30, $0xb8;
	[tilespmem:$0x1BD00] =	vst v63  }
0x74: {  	_ =	swait.ge [sflag:s26], $0x7D0  }
0x75: {  	[sflag:s26] =	ssyncset.done $0x0  }
0x76: {  	[sflag:s26] =	ssyncadd.s32 $0xFFFFF830  }
0x77: {  	[tilespmem:s29], [sflag:$0x1] =	stream.linear.gather [hbm4b:s23+s8], $0x7D0, $0x38;
	[tilespmem:$0x1BD00] =	vst v63  }
0x78: {  	_ =	swait.ge [sflag:s26], $0x7D0  }
0x79: {  	[sflag:s26] =	ssyncset.done $0x0  }
0x7a: {  	[sflag:s26] =	ssyncadd.s32 $0xFFFFF830  }
0x7b: {  	[spmem:s2] =	stream.indirect.scatter.add.f32 [tilespmem:s31], [sflag:$0x1], $0x1, s29, s30, $0xb8;
	[tilespmem:$0x1BD00] =	vst v63  }
0x7c: {  	_ =	swait.ge [sflag:s26], $0x7D0  }
0x7d: {  	[sflag:s26] =	ssyncset.done $0x0  }
0x7e: {  	[sflag:s26] =	ssyncadd.s32 $0xFFFFF830  }
0x7f: {  	[tilespmem:s29], [sflag:$0x1] =	stream.linear.gather [hbm4b:s24+s8], $0x7D0, $0x38;
	[tilespmem:$0x1BD00] =	vst v63  }
0x80: {  	_ =	swait.ge [sflag:s26], $0x7D0  }
0x81: {  	[sflag:s26] =	ssyncset.done $0x0  }
0x82: {  	[sflag:s26] =	ssyncadd.s32 $0xFFFFF830  }
0x83: {  	[spmem:s2] =	stream.indirect.scatter.add.f32 [tilespmem:s31], [sflag:$0x1], $0x1, s29, s30, $0xb8;
	[tilespmem:$0x1BD00] =	vst v63  }
0x84: {  	_ =	swait.ge [sflag:s26], $0x7D0  }
0x85: {  	[sflag:s26] =	ssyncset.done $0x0  }
0x86: {  	[sflag:s26] =	ssyncadd.s32 $0xFFFFF830  }
0x87: {  	[bflag:$0x0] =	sbarrier.arrive $0xFFFF  }
0x88: {  	[tilespmem:s31], [sflag:$0x1] =	stream.linear.gather [spmem:s10], $0x280, $0x38;
	[tilespmem:$0x1BD00] =	vst v63  }
0x89: {  	_ =	swait.ge [sflag:s26], $0x280  }
0x8a: {  	[sflag:s26] =	ssyncset.done $0x0  }
0x8b: {  	s11 =	simm.s32 $0x40;
	s8 =	simm.s32 $0x0;
	[sflag:s26] =	ssyncadd.s32 $0xFFFFFD80  }
.LBB2_8:
0x8c: {  	p1 =	sne.s32 s11, $0x9C0;
	v2 =	vld [tilespmem:s8+$0x15500];
	_ =	sdelay $0x4  }
0x8d: {  	v2 =	vadd.f32 $1.000000000e+00, v2;
	_ =	sdelay $0x1  }
0x8e: {  	v3 =	vshrl.u32 v2, $0x1;
	v2 =	vmul.f32 $5.000000000e-01, v2  }
0x8f: {  	v3 =	vsub.s32 $0x5F3759DF, v3  }
0x90: {  	v4 =	vmul.f32 v3, v2;
	_ =	sdelay $0x1  }
0x91: {  	v4 =	vmul.f32 v3, v4;
	_ =	sdelay $0x1  }
0x92: {  	v4 =	vsub.f32 $1.500000000e+00, v4;
	_ =	sdelay $0x1  }
0x93: {  	v3 =	vmul.f32 v3, v4;
	_ =	sdelay $0x1  }
0x94: {  	v4 =	vmul.f32 v3, v2;
	_ =	sdelay $0x1  }
0x95: {  	v4 =	vmul.f32 v4, v3;
	_ =	sdelay $0x1  }
0x96: {  	v4 =	vsub.f32 $1.500000000e+00, v4;
	_ =	sdelay $0x1  }
0x97: {  	v3 =	vmul.f32 v4, v3;
	_ =	sdelay $0x1  }
0x98: {  	v2 =	vmul.f32 v3, v2;
	_ =	sdelay $0x1  }
0x99: {  	v2 =	vmul.f32 v2, v3;
	_ =	sdelay $0x1  }
.Ltmp3:
0x9a: {  	v2 =	vsub.f32 $1.500000000e+00, v2;
	(pc) =	sbr.rel @p1 .LBB2_8-.Ltmp3, $3  }
0x9b: {  	_ = 	snop  }
0x9c: {  	v2 =	vmul.f32 v2, v3;
	_ =	sdelay $0x1  }
0x9d: {  	[tilespmem:s8+$0x15500] =	vst v2;
	s8 =	sshra.s32 s11, $0x2;
	s11 =	sadd.s32 $0x40, s11  }
0x9e: {  	v2 =	vld [tilespmem:s8+$0x15500];
	_ =	sdelay $0x4  }
0x9f: {  	v2 =	vadd.f32 $1.000000000e+00, v2;
	_ =	sdelay $0x1  }
0xa0: {  	v3 =	vshrl.u32 v2, $0x1;
	v2 =	vmul.f32 $5.000000000e-01, v2  }
0xa1: {  	v3 =	vsub.s32 $0x5F3759DF, v3  }
0xa2: {  	v4 =	vmul.f32 v3, v2;
	_ =	sdelay $0x1  }
0xa3: {  	v4 =	vmul.f32 v3, v4;
	_ =	sdelay $0x1  }
0xa4: {  	v4 =	vsub.f32 $1.500000000e+00, v4;
	_ =	sdelay $0x1  }
0xa5: {  	v3 =	vmul.f32 v3, v4;
	_ =	sdelay $0x1  }
0xa6: {  	v4 =	vmul.f32 v3, v2;
	_ =	sdelay $0x1  }
0xa7: {  	v4 =	vmul.f32 v4, v3;
	_ =	sdelay $0x1  }
0xa8: {  	v4 =	vsub.f32 $1.500000000e+00, v4;
	_ =	sdelay $0x1  }
0xa9: {  	v3 =	vmul.f32 v4, v3;
	_ =	sdelay $0x1  }
0xaa: {  	v2 =	vmul.f32 v3, v2;
	_ =	sdelay $0x1  }
0xab: {  	v2 =	vmul.f32 v2, v3;
	_ =	sdelay $0x1  }
0xac: {  	v2 =	vsub.f32 $1.500000000e+00, v2;
	_ =	sdelay $0x1  }
0xad: {  	v2 =	vmul.f32 v2, v3;
	_ =	sdelay $0x1  }
0xae: {  	s4 =	rddreg [dreg:$0x7];
	[tilespmem:s8+$0x15500] =	vst v2  }
0xaf: {  	[spmem:s4] =	stream.linear.scatter [tilespmem:s31], [sflag:$0x1], $0x280, $0x38;
	[tilespmem:$0x1BD00] =	vst v63  }
0xb0: {  	_ =	swait.ge [sflag:s26], $0x280  }
0xb1: {  	[sflag:s26] =	ssyncset.done $0x0  }
0xb2: {  	[sflag:s26] =	ssyncadd.s32 $0xFFFFFD80  }
0xb3: {  	[bflag:$0x0] =	sbarrier.arrive $0xFFFF  }
0xb4: {  	s4 =	rddreg [dreg:$0x3]  }
0xb5: {  	[tilespmem:s0], [sflag:$0x1] =	stream.linear.gather [spmem:s4], $0x2800, $0x38;
	[tilespmem:$0x1BD00] =	vst v63  }
0xb6: {  	s8 =	sshll.u32 @!p0 s14, $0x6;
	_ =	swait.ge [sflag:s26], $0x2800  }
0xb7: {  	s8 =	sor.u32 @!p0 $0x1C01, s8;
	[sflag:s26] =	ssyncset.done $0x0  }
0xb8: {  	s11 =	sshrl.u32 @!p0 s4, $0x3;
	s4 =	rddreg [dreg:$0x6];
	[sflag:s26] =	ssyncadd.s32 $0xFFFFD800  }
0xb9: {  	[hbm:s4], [sflag:s8] =	dma.local @!p0 [spmem:s11], $0x500  }
0xba: {  	s8 =	simm.s32 @!p0 $0x1  }
0xbb: {  	_ =	swait.ge @!p0 [sflag:s8], $0x500  }
0xbc: {  	[sflag:s8] =	ssyncset.done @!p0 $0x0  }
0xbd: {  	s11 =	simm.s32 $0x0;
	[sflag:s8] =	ssyncadd.s32 @!p0 $0xFFFFFB00;
	s8 =	simm.s32 $0x0  }
.LBB2_10:
0xbe: {  	s13 =	smul.u32 $0x7D0, s11;
	_ =	sdelay $0x1  }
0xbf: {  	s13 =	sadd.s32 s12, s13  }
0xc0: {  	s13 =	sshrl.u32 s13, $0x3  }
0xc1: {  	s13 =	sadd.s32 s6, s13  }
0xc2: {  	[tilespmem:s3], [sflag:$0x1] =	stream.linear.gather [hbm4b:s13+s8], $0x7D0, $0x38;
	[tilespmem:$0x1BD00] =	vst v63  }
0xc3: {  	_ =	swait.ge [sflag:s26], $0x7D0  }
0xc4: {  	[sflag:s26] =	ssyncset.done $0x0  }
0xc5: {  	s13 =	sadd.s32 $0x9C40, s13;
	[sflag:s26] =	ssyncadd.s32 $0xFFFFF830  }
0xc6: {  	[tilespmem:s29], [sflag:$0x1] =	stream.linear.gather [hbm4b:s13+s8], $0x7D0, $0x38;
	[tilespmem:$0x1BD00] =	vst v63  }
0xc7: {  	_ =	swait.ge [sflag:s26], $0x7D0  }
0xc8: {  	[sflag:s26] =	ssyncset.done $0x0  }
0xc9: {  	s13 =	simm.s32 $0x0;
	[sflag:s26] =	ssyncadd.s32 $0xFFFFF830  }
0xca: {  	v2 =	vld [tilespmem:s13+$0x14500]  }
0xcb: {  	v6 =	vld [tilespmem:s13+$0x14D00];
	_ =	sdelay $0x6  }
0xcc: {  	v5 =	vld.idx.msk [tilespmem:v2+s0+$0x0], $0xffff  }
0xcd: {  	v7 =	vld.idx.msk [tilespmem:v6+s0+$0x0], $0xffff  }
0xce: {  	s14 =	simm.s32 $0x10;
	v4 =	vld.idx.msk [tilespmem:v2+s28+$0x0], $0xffff  }
0xcf: {  	v2 =	vld [tilespmem:s14+$0x14500]  }
0xd0: {  	v3 =	vld [tilespmem:s14+$0x14D00];
	_ =	sdelay $0x2  }
0xd1: {  	s15 =	simm.s32 $0x80;
	v6 =	vshll.u32 v6, $0x7;
	v5 =	vmul.f32 v7, v5  }
.LBB2_11:
0xd2: {  	p1 =	sne.s32 s15, $0x1F00;
	v4 =	vadd.s32 v6, v4;
	s4 =	smov.u32 s15;
	s15 =	sadd.s32 $0x40, s15  }
0xd3: {  	[tilespmem:s13+$0x15500] =	vst v5;
	v6 =	vmov v3  }
0xd4: {  	[tilespmem:s13+$0x15D00] =	vst v4;
	s13 =	smov.u32 s14  }
0xd5: {  	v5 =	vld.idx.msk [tilespmem:v2+s0+$0x0], $0xffff  }
0xd6: {  	v7 =	vld.idx.msk [tilespmem:v3+s0+$0x0], $0xffff  }
0xd7: {  	s14 =	sshra.s32 s4, $0x2;
	v4 =	vld.idx.msk [tilespmem:v2+s28+$0x0], $0xffff  }
.Ltmp4:
0xd8: {  	v2 =	vld [tilespmem:s14+$0x14500];
	(pc) =	sbr.rel @p1 .LBB2_11-.Ltmp4, $2  }
0xd9: {  	v3 =	vld [tilespmem:s14+$0x14D00];
	_ =	sdelay $0x2  }
0xda: {  	v6 =	vshll.u32 v6, $0x7;
	v5 =	vmul.f32 v7, v5  }
0xdb: {  	_ =	sdelay $0x1  }
0xdc: {  	v4 =	vadd.s32 v6, v4;
	[tilespmem:s13+$0x15500] =	vst v5  }
0xdd: {  	[tilespmem:s13+$0x15D00] =	vst v4  }
0xde: {  	v4 =	vld.idx.msk [tilespmem:v2+s0+$0x0], $0xffff  }
0xdf: {  	v5 =	vld.idx.msk [tilespmem:v3+s0+$0x0], $0xffff  }
0xe0: {  	v2 =	vld.idx.msk [tilespmem:v2+s28+$0x0], $0xffff;
	_ =	sdelay $0x3  }
0xe1: {  	v3 =	vshll.u32 v3, $0x7  }
0xe2: {  	s11 =	sadd.s32 $0x1, s11;
	v4 =	vmul.f32 v5, v4;
	v2 =	vadd.s32 v3, v2  }
0xe3: {  	p1 =	sne.s32 s11, $0x5;
	[tilespmem:s14+$0x15D00] =	vst v2  }
.Ltmp5:
0xe4: {  	[tilespmem:s14+$0x15500] =	vst v4;
	(pc) =	sbr.rel @p1 .LBB2_10-.Ltmp5, $4  }
0xe5: {  	[spmem:s1] =	stream.indirect.scatter.add.f32 [tilespmem:s31], [sflag:$0x1], $0x1, s7, s30, $0xb8;
	[tilespmem:$0x1BD00] =	vst v63  }
0xe6: {  	_ =	swait.ge [sflag:s26], $0x7D0  }
0xe7: {  	[sflag:s26] =	ssyncset.done $0x0  }
0xe8: {  	[sflag:s26] =	ssyncadd.s32 $0xFFFFF830  }
0xe9: {  	s14 =	stileid.u32  }
0xea: {  	s4 =	sshll.u32 s14, $0x6  }
0xeb: {  	[bflag:$0x0] =	sbarrier.arrive $0xFFFF;
	s8 =	sshrl.u32 s9, $0x3;
	s4 =	sor.u32 $0x1C01, s4  }
0xec: {  	[hbm:s22], [sflag:s4] =	dma.local [spmem:s8], $0x2800  }
0xed: {  	_ =	swait.ge [sflag:s26], $0x2800  }
0xee: {  	s5 =	sadd.s32 $0x1, s5;
	s15 =	rddreg [dreg:$0x8]  }
0xef: {  	p1 =	sne.s32 s5, s15  }
.Ltmp6:
0xf0: {  	_ = 	snop;
	(pc) =	sbr.rel @p1 .LBB2_1-.Ltmp6, $3  }
0xf1: {  	_ =	sdelay $0x1  }
0xf2: {  	[sflag:s26] =	ssyncset.done $0x0  }
0xf3: {  	[sflag:s26] =	ssyncadd.s32 $0xFFFFD800  }
0xf4: {  	_ =	sfence.sel $0x180000  }
0xf5: {  	[bflag:$0x0] =	sbarrier.arrive $0xFFFF  }
0xf6: {  	_ =	strace $0x90000047  }
0xf7: {  	[bflag:$0x2] =	sbarrier.arrive $0xFFFF  }
0xf8: {  	p0 =	sne.s32 s14, $0x0;
	s0 =	rddreg [dreg:$0x4]  }
0xf9: {  	s0 =	sadd.s32 @!p0 $0x100000, s0  }
0xfa: {  	[sflag:s0] =	ssyncadd.tile.s32 @!p0 $0x1;
	_ =	shalt  }
.Lfunc_end2:
_tile_overlayer_lowered:
.L_overlay_start_2:
0xfb: {  	(tag) =	ssettag $0x2  }
0xfc: {  	s0 =	rddreg [dreg:$0x0];
	s2 =	stileid.u32  }
0xfd: {  	s1 =	rddreg [dreg:$0x1];
	p0 =	sne.s32 s2, $0x0  }
0xfe: {  	s3 =	rddreg [dreg:$0x2];
	[bflag:$0x3] =	sbarrier.arrive $0xFFFF;
	s2 =	simm.s32 @!p0 $0x1C01  }
0xff: {  	[timem:s3], [sflag:s2] =	dma.local @!p0 [hbm:s0], s1  }
0x100: {  	s0 =	simm.s32 @!p0 $0x1  }
0x101: {  	_ =	swait.ge @!p0 [sflag:s0], s1  }
0x102: {  	s1 =	ssub.s32 @!p0 $0x0, s1;
	[sflag:s0] =	ssyncset.done @!p0 $0x0  }
0x103: {  	[sflag:s0] =	ssyncadd.s32 @!p0 s1  }
0x104: {  	[bflag:$0x3] =	sbarrier.arrive $0xFFFF  }
0x105: {  	_ =	shalt  }

</sc_bundles>
